<compile_context>
chip_gen: v7x
topology: tpu7x:2x2x1
jax: 0.10.2.dev20260603
libtpu: 0.0.44.dev20260713+nightly
codegen_flags: <defaults>
</compile_context>

<pallas_src>
import functools

import jax
import jax.numpy as jnp
from jax import lax
from jax.experimental import pallas as pl
from jax.experimental.pallas import tpu as pltpu
from jax.experimental.pallas import tpu_sc as plsc

B, S, NSW = 1024, 50, 20
EMB = 64
ROWW = 128
VPAD = 1000008
T = B * S
NC, NS = 2, 16
NW = NC * NS
TPW = T // NW
IPW = TPW * NSW
CHUNK_TOK = 16
ROWS_PER_CHUNK = CHUNK_TOK * NSW
GATHER_N = 4
GATHER_IDX = ROWS_PER_CHUNK // GATHER_N
NCHUNK = TPW // CHUNK_TOK


def _sc_kernel(table_hbm, idx_hbm, out_hbm,
               idx_v, rows_v0, rows_v1, out_v0, out_v1, sem0, sem1, sem_out):
    wid = lax.axis_index("s") * NC + lax.axis_index("c")
    out_base = wid * (TPW * EMB)

    pltpu.sync_copy(idx_hbm.at[pl.ds(wid * IPW, IPW)], idx_v)

    def fire(g, rows_v, sem):
        for o, n in ((0, 128), (128, 128), (256, 64)):
            pltpu.async_copy(
                table_hbm.at[idx_v.at[pl.ds(g * ROWS_PER_CHUNK + o, n)]],
                rows_v.at[pl.ds(o, n)],
                sem,
            )

    def drain(rows_v, sem):
        pltpu.make_async_copy(
            table_hbm.at[pl.ds(0, ROWS_PER_CHUNK)], rows_v, sem
        ).wait()

    def drain_out(out_v):
        pltpu.make_async_copy(
            out_hbm.at[pl.ds(0, CHUNK_TOK * EMB)], out_v, sem_out
        ).wait()

    def compute(g, rows_v, out_v):
        @pl.when(g >= 2)
        def _():
            drain_out(out_v)

        @pl.loop(0, CHUNK_TOK)
        def _(t):
            r0 = t * NSW
            for c in range(EMB // 16):
                lanes = pl.ds(c * 16, 16)
                acc_a = rows_v[r0, lanes] + rows_v[r0 + 1, lanes]
                acc_b = rows_v[r0 + 2, lanes] + rows_v[r0 + 3, lanes]
                for s in range(4, NSW, 2):
                    acc_a = acc_a + rows_v[r0 + s, lanes]
                    acc_b = acc_b + rows_v[r0 + s + 1, lanes]
                out_v[pl.ds(t * EMB + c * 16, 16)] = (acc_a + acc_b) * (1.0 / NSW)
        pltpu.async_copy(
            out_v,
            out_hbm.at[pl.ds(out_base + g * (CHUNK_TOK * EMB), CHUNK_TOK * EMB)],
            sem_out,
        )

    fire(0, rows_v0, sem0)

    @pl.loop(0, NCHUNK, step=2)
    def _(g):
        fire(g + 1, rows_v1, sem1)
        drain(rows_v0, sem0)
        compute(g, rows_v0, out_v0)

        @pl.when(g + 2 < NCHUNK)
        def _():
            fire(g + 2, rows_v0, sem0)

        drain(rows_v1, sem1)
        compute(g + 1, rows_v1, out_v1)

    drain_out_final = pltpu.make_async_copy(
        out_hbm.at[pl.ds(0, CHUNK_TOK * EMB)], out_v0, sem_out
    )
    drain_out_final.wait()
    pltpu.make_async_copy(
        out_hbm.at[pl.ds(0, CHUNK_TOK * EMB)], out_v1, sem_out
    ).wait()


@jax.jit
def _pooled_lookup(table, idx_flat):
    mesh = plsc.VectorSubcoreMesh(core_axis_name="c", subcore_axis_name="s")
    run = pl.kernel(
        _sc_kernel,
        out_type=jax.ShapeDtypeStruct((T * EMB,), jnp.float32),
        mesh=mesh,
        compiler_params=pltpu.CompilerParams(use_tc_tiling_on_sc=True),
        scratch_types=[
            pltpu.VMEM((IPW,), jnp.int32),
            pltpu.VMEM((ROWS_PER_CHUNK, ROWW), jnp.float32),
            pltpu.VMEM((ROWS_PER_CHUNK, ROWW), jnp.float32),
            pltpu.VMEM((CHUNK_TOK * EMB,), jnp.float32),
            pltpu.VMEM((CHUNK_TOK * EMB,), jnp.float32),
            pltpu.SemaphoreType.DMA,
            pltpu.SemaphoreType.DMA,
            pltpu.SemaphoreType.DMA,
        ],
    )
    tablep = jnp.pad(table, ((0, VPAD - table.shape[0]), (0, ROWW - EMB)))
    return run(tablep, idx_flat)


def kernel(inpt, table):
    idx_flat = inpt.reshape(T * NSW)
    out = _pooled_lookup(table, idx_flat)
    return out.reshape(B, S, EMB)

# --- scband reference (transcript-rebuilt; emitter-appended) ---
"""Pipeline reference for scband-fast-text-lexer-32066225832407 (READ-ONLY COPY).

The authoritative reference and input builder live on the scoring server;
editing this copy changes nothing except your own understanding.
"""

import jax, jax.numpy as jnp
import numpy as np

VOCAB = 1000000
EMB = 64
PAD_IDX = VOCAB  # padding row, zeros by convention


def setup_inputs(seed: int = 0) -> dict:
    key = jax.random.key(seed)
    k1, k2 = jax.random.split(key)
    # subword index batch: [batch, seq_len, num_subwords]
    inpt = jax.random.randint(k1, (1024, 50, 20), 0, VOCAB, dtype=jnp.int32)
    # embedding table: fasttext input matrix [VOCAB, EMB] + zero padding row + root row
    base = jax.random.normal(k2, (VOCAB + 2, EMB), dtype=jnp.float32) * 0.1
    table = base.at[PAD_IDX].set(0.0)  # padding vector is zeros
    return {"inpt": inpt, "table": table}


def reference(inpt, table):
    # nn.Embedding lookup followed by mean over the subword dimension
    emb = jnp.take(table, inpt, axis=0)          # [B, S, num_subwords, EMB]
    return emb.mean(axis=-2)                     # [B, S, EMB]

if __name__ == "__main__":
    import jax
    _d = setup_inputs()
    print(jax.jit(kernel)(*tuple(_d.values())))

</pallas_src>

<mosaic_0001>
#map = affine_map<(d0, d1) -> (0, 0)>
#map1 = affine_map<(d0, d1) -> (0)>
module attributes {stable_mosaic.version = 14 : i64} {
  func.func @_sc_kernel(%arg0: i32, %arg1: i32, %arg2: memref<1000008x128xf32, #tpu.memory_space<hbm>>, %arg3: memref<1024000xi32, #tpu.memory_space<hbm>>, %arg4: memref<3276800xf32, #tpu.memory_space<hbm>>, %arg5: memref<32000xi32, #tpu.memory_space<vmem>>, %arg6: memref<320x128xf32, #tpu.memory_space<vmem>>, %arg7: memref<320x128xf32, #tpu.memory_space<vmem>>, %arg8: memref<1024xf32, #tpu.memory_space<vmem>>, %arg9: memref<1024xf32, #tpu.memory_space<vmem>>, %arg10: memref<!tpu.dma_semaphore, #tpu.memory_space<semaphore_mem>>, %arg11: memref<!tpu.dma_semaphore, #tpu.memory_space<semaphore_mem>>, %arg12: memref<!tpu.dma_semaphore, #tpu.memory_space<semaphore_mem>>) attributes {dimension_semantics = [#tpu.dimension_semantics<core_parallel>, #tpu.dimension_semantics<subcore_parallel>], iteration_bounds = array<i64: 2, 16>, scalar_prefetch = 0 : i64, scratch_operands = 8 : i64, tpu.core_type = #tpu.core_type<sc_vector_subcore>, window_params = [{transform_indices = #map}, {transform_indices = #map1}, {transform_indices = #map1}]} {
    %mul3A = arith.constant 2 : i32
    %mul3A_0 = arith.muli %arg1, %mul3A : i32
    %add3A = arith.addi %mul3A_0, %arg0 : i32
    %mul3A_1 = arith.constant 102400 : i32
    %mul3A_2 = arith.muli %add3A, %mul3A_1 : i32
    %mul3A_3 = arith.constant 32000 : i32
    %mul3A_4 = arith.muli %add3A, %mul3A_3 : i32
    "tpu.region"() ({
      %run_scoped3A = tpu.sem_alloc : memref<!tpu.dma_semaphore, #tpu.memory_space<semaphore_mem>>
      %dma_start3A_39 = tpu.memref_slice %arg3[%mul3A_4] : memref<1024000xi32, #tpu.memory_space<hbm>> -> memref<32000xi32, #tpu.memory_space<hbm>>
      %dma_start3A_40 = tpu.memref_slice %arg3[%mul3A_4] : memref<1024000xi32, #tpu.memory_space<hbm>> -> memref<32000xi32, #tpu.memory_space<hbm>>
      tpu.enqueue_dma source(%dma_start3A_40 : memref<32000xi32, #tpu.memory_space<hbm>>) target(%arg5 : memref<32000xi32, #tpu.memory_space<vmem>>) target_semaphore(%run_scoped3A : memref<!tpu.dma_semaphore, #tpu.memory_space<semaphore_mem>>)
      %dma_wait3A_41 = tpu.memref_slice %arg3[%mul3A_4] : memref<1024000xi32, #tpu.memory_space<hbm>> -> memref<32000xi32, #tpu.memory_space<hbm>>
      %dma_wait3A_42 = tpu.memref_slice %arg3[%mul3A_4] : memref<1024000xi32, #tpu.memory_space<hbm>> -> memref<32000xi32, #tpu.memory_space<hbm>>
      tpu.wait_dma2 semaphore(%run_scoped3A : memref<!tpu.dma_semaphore, #tpu.memory_space<semaphore_mem>>) src(%dma_wait3A_42 : memref<32000xi32, #tpu.memory_space<hbm>>) dst(%arg5 : memref<32000xi32, #tpu.memory_space<vmem>>)
      tpu.yield
    }) : () -> ()
    %dma_start3A = arith.constant 0 : i32
    %dma_start3A_5 = arith.constant 0 : i32
    %dma_start3A_6 = tpu.memref_slice %arg6[%dma_start3A, %dma_start3A_5] : memref<320x128xf32, #tpu.memory_space<vmem>> -> memref<128x128xf32, #tpu.memory_space<vmem>>
    %dma_start3A_7 = arith.constant 0 : i32
    %dma_start3A_8 = tpu.memref_slice %arg5[%dma_start3A_7] : memref<32000xi32, #tpu.memory_space<vmem>> -> memref<128xi32, #tpu.memory_space<vmem>>
    %dma_start3A_9 = arith.constant 0 : i32
    %dma_start3A_10 = arith.constant 0 : i32
    %dma_start3A_11 = tpu.memref_slice %arg2[%dma_start3A_9, %dma_start3A_10] : memref<1000008x128xf32, #tpu.memory_space<hbm>> -> memref<1000008x128xf32, #tpu.memory_space<hbm>>
    tpu.enqueue_indirect_dma source(%dma_start3A_11 : memref<1000008x128xf32, #tpu.memory_space<hbm>>) target(%dma_start3A_6 : memref<128x128xf32, #tpu.memory_space<vmem>>) offsets(%dma_start3A_8 : memref<128xi32, #tpu.memory_space<vmem>>) semaphore(%arg10 : memref<!tpu.dma_semaphore, #tpu.memory_space<semaphore_mem>>)
    %dma_start3A_12 = arith.constant 128 : i32
    %dma_start3A_13 = arith.constant 0 : i32
    %dma_start3A_14 = tpu.memref_slice %arg6[%dma_start3A_12, %dma_start3A_13] : memref<320x128xf32, #tpu.memory_space<vmem>> -> memref<128x128xf32, #tpu.memory_space<vmem>>
    %dma_start3A_15 = arith.constant 128 : i32
    %dma_start3A_16 = tpu.memref_slice %arg5[%dma_start3A_15] : memref<32000xi32, #tpu.memory_space<vmem>> -> memref<128xi32, #tpu.memory_space<vmem>>
    %dma_start3A_17 = arith.constant 0 : i32
    %dma_start3A_18 = arith.constant 0 : i32
    %dma_start3A_19 = tpu.memref_slice %arg2[%dma_start3A_17, %dma_start3A_18] : memref<1000008x128xf32, #tpu.memory_space<hbm>> -> memref<1000008x128xf32, #tpu.memory_space<hbm>>
    tpu.enqueue_indirect_dma source(%dma_start3A_19 : memref<1000008x128xf32, #tpu.memory_space<hbm>>) target(%dma_start3A_14 : memref<128x128xf32, #tpu.memory_space<vmem>>) offsets(%dma_start3A_16 : memref<128xi32, #tpu.memory_space<vmem>>) semaphore(%arg10 : memref<!tpu.dma_semaphore, #tpu.memory_space<semaphore_mem>>)
    %dma_start3A_20 = arith.constant 256 : i32
    %dma_start3A_21 = arith.constant 0 : i32
    %dma_start3A_22 = tpu.memref_slice %arg6[%dma_start3A_20, %dma_start3A_21] : memref<320x128xf32, #tpu.memory_space<vmem>> -> memref<64x128xf32, #tpu.memory_space<vmem>>
    %dma_start3A_23 = arith.constant 256 : i32
    %dma_start3A_24 = tpu.memref_slice %arg5[%dma_start3A_23] : memref<32000xi32, #tpu.memory_space<vmem>> -> memref<64xi32, #tpu.memory_space<vmem>>
    %dma_start3A_25 = arith.constant 0 : i32
    %dma_start3A_26 = arith.constant 0 : i32
    %dma_start3A_27 = tpu.memref_slice %arg2[%dma_start3A_25, %dma_start3A_26] : memref<1000008x128xf32, #tpu.memory_space<hbm>> -> memref<1000008x128xf32, #tpu.memory_space<hbm>>
    tpu.enqueue_indirect_dma source(%dma_start3A_27 : memref<1000008x128xf32, #tpu.memory_space<hbm>>) target(%dma_start3A_22 : memref<64x128xf32, #tpu.memory_space<vmem>>) offsets(%dma_start3A_24 : memref<64xi32, #tpu.memory_space<vmem>>) semaphore(%arg10 : memref<!tpu.dma_semaphore, #tpu.memory_space<semaphore_mem>>)
    %scan3A = arith.constant 0 : i32
    %scan3A_28 = arith.constant 50 : i32
    %scan3A_29 = arith.addi %scan3A, %scan3A_28 : i32
    %scan3A_30 = arith.constant 1 : i32
    scf.for %scan3A_39 = %scan3A to %scan3A_29 step %scan3A_30  : i32 {
      %mul3A_40 = arith.constant 2 : i32
      %mul3A_41 = arith.muli %scan3A_39, %mul3A_40 : i32
      %add3A_42 = arith.constant 0 : i32
      %add3A_43 = arith.addi %add3A_42, %mul3A_41 : i32
      %add3A_44 = arith.constant 1 : i32
      %add3A_45 = arith.addi %add3A_43, %add3A_44 : i32
      %mul3A_46 = arith.constant 320 : i32
      %mul3A_47 = arith.muli %add3A_45, %mul3A_46 : i32
      %add3A_48 = arith.constant 0 : i32
      %add3A_49 = arith.addi %mul3A_47, %add3A_48 : i32
      %dma_start3A_50 = arith.constant 0 : i32
      %dma_start3A_51 = arith.constant 0 : i32
      %dma_start3A_52 = tpu.memref_slice %arg7[%dma_start3A_50, %dma_start3A_51] : memref<320x128xf32, #tpu.memory_space<vmem>> -> memref<128x128xf32, #tpu.memory_space<vmem>>
      %dma_start3A_53 = tpu.memref_slice %arg5[%add3A_49] : memref<32000xi32, #tpu.memory_space<vmem>> -> memref<128xi32, #tpu.memory_space<vmem>>
      %dma_start3A_54 = arith.constant 0 : i32
      %dma_start3A_55 = arith.constant 0 : i32
      %dma_start3A_56 = tpu.memref_slice %arg2[%dma_start3A_54, %dma_start3A_55] : memref<1000008x128xf32, #tpu.memory_space<hbm>> -> memref<1000008x128xf32, #tpu.memory_space<hbm>>
      tpu.enqueue_indirect_dma source(%dma_start3A_56 : memref<1000008x128xf32, #tpu.memory_space<hbm>>) target(%dma_start3A_52 : memref<128x128xf32, #tpu.memory_space<vmem>>) offsets(%dma_start3A_53 : memref<128xi32, #tpu.memory_space<vmem>>) semaphore(%arg11 : memref<!tpu.dma_semaphore, #tpu.memory_space<semaphore_mem>>)
      %mul3A_57 = arith.constant 320 : i32
      %mul3A_58 = arith.muli %add3A_45, %mul3A_57 : i32
      %add3A_59 = arith.constant 128 : i32
      %add3A_60 = arith.addi %mul3A_58, %add3A_59 : i32
      %dma_start3A_61 = arith.constant 128 : i32
      %dma_start3A_62 = arith.constant 0 : i32
      %dma_start3A_63 = tpu.memref_slice %arg7[%dma_start3A_61, %dma_start3A_62] : memref<320x128xf32, #tpu.memory_space<vmem>> -> memref<128x128xf32, #tpu.memory_space<vmem>>
      %dma_start3A_64 = tpu.memref_slice %arg5[%add3A_60] : memref<32000xi32, #tpu.memory_space<vmem>> -> memref<128xi32, #tpu.memory_space<vmem>>
      %dma_start3A_65 = arith.constant 0 : i32
      %dma_start3A_66 = arith.constant 0 : i32
      %dma_start3A_67 = tpu.memref_slice %arg2[%dma_start3A_65, %dma_start3A_66] : memref<1000008x128xf32, #tpu.memory_space<hbm>> -> memref<1000008x128xf32, #tpu.memory_space<hbm>>
      tpu.enqueue_indirect_dma source(%dma_start3A_67 : memref<1000008x128xf32, #tpu.memory_space<hbm>>) target(%dma_start3A_63 : memref<128x128xf32, #tpu.memory_space<vmem>>) offsets(%dma_start3A_64 : memref<128xi32, #tpu.memory_space<vmem>>) semaphore(%arg11 : memref<!tpu.dma_semaphore, #tpu.memory_space<semaphore_mem>>)
      %mul3A_68 = arith.constant 320 : i32
      %mul3A_69 = arith.muli %add3A_45, %mul3A_68 : i32
      %add3A_70 = arith.constant 256 : i32
      %add3A_71 = arith.addi %mul3A_69, %add3A_70 : i32
      %dma_start3A_72 = arith.constant 256 : i32
      %dma_start3A_73 = arith.constant 0 : i32
      %dma_start3A_74 = tpu.memref_slice %arg7[%dma_start3A_72, %dma_start3A_73] : memref<320x128xf32, #tpu.memory_space<vmem>> -> memref<64x128xf32, #tpu.memory_space<vmem>>
      %dma_start3A_75 = tpu.memref_slice %arg5[%add3A_71] : memref<32000xi32, #tpu.memory_space<vmem>> -> memref<64xi32, #tpu.memory_space<vmem>>
      %dma_start3A_76 = arith.constant 0 : i32
      %dma_start3A_77 = arith.constant 0 : i32
      %dma_start3A_78 = tpu.memref_slice %arg2[%dma_start3A_76, %dma_start3A_77] : memref<1000008x128xf32, #tpu.memory_space<hbm>> -> memref<1000008x128xf32, #tpu.memory_space<hbm>>
      tpu.enqueue_indirect_dma source(%dma_start3A_78 : memref<1000008x128xf32, #tpu.memory_space<hbm>>) target(%dma_start3A_74 : memref<64x128xf32, #tpu.memory_space<vmem>>) offsets(%dma_start3A_75 : memref<64xi32, #tpu.memory_space<vmem>>) semaphore(%arg11 : memref<!tpu.dma_semaphore, #tpu.memory_space<semaphore_mem>>)
      %dma_wait3A_79 = arith.constant 0 : i32
      %dma_wait3A_80 = arith.constant 0 : i32
      %dma_wait3A_81 = tpu.memref_slice %arg2[%dma_wait3A_79, %dma_wait3A_80] : memref<1000008x128xf32, #tpu.memory_space<hbm>> -> memref<320x128xf32, #tpu.memory_space<hbm>>
      %dma_wait3A_82 = arith.constant 0 : i32
      %dma_wait3A_83 = arith.constant 0 : i32
      %dma_wait3A_84 = tpu.memref_slice %arg2[%dma_wait3A_82, %dma_wait3A_83] : memref<1000008x128xf32, #tpu.memory_space<hbm>> -> memref<320x128xf32, #tpu.memory_space<hbm>>
      tpu.wait_dma2 semaphore(%arg10 : memref<!tpu.dma_semaphore, #tpu.memory_space<semaphore_mem>>) src(%dma_wait3A_84 : memref<320x128xf32, #tpu.memory_space<hbm>>) dst(%arg6 : memref<320x128xf32, #tpu.memory_space<vmem>>)
      %ge3A = arith.constant 2 : i32
      %ge3A_85 = arith.cmpi sge, %add3A_43, %ge3A : i32
      %convert_element_type3A = arith.extui %ge3A_85 : i1 to i32
      %cond3A = arith.constant 0 : i32
      %cond3A_86 = arith.cmpi ne, %convert_element_type3A, %cond3A : i32
      scf.if %cond3A_86 {
        %dma_wait3A_126 = arith.constant 0 : i32
        %dma_wait3A_127 = tpu.memref_slice %arg4[%dma_wait3A_126] : memref<3276800xf32, #tpu.memory_space<hbm>> -> memref<1024xf32, #tpu.memory_space<hbm>>
        %dma_wait3A_128 = arith.constant 0 : i32
        %dma_wait3A_129 = tpu.memref_slice %arg4[%dma_wait3A_128] : memref<3276800xf32, #tpu.memory_space<hbm>> -> memref<1024xf32, #tpu.memory_space<hbm>>
        tpu.wait_dma2 semaphore(%arg12 : memref<!tpu.dma_semaphore, #tpu.memory_space<semaphore_mem>>) src(%dma_wait3A_129 : memref<1024xf32, #tpu.memory_space<hbm>>) dst(%arg8 : memref<1024xf32, #tpu.memory_space<vmem>>)
      } else {
      }
      %scan3A_87 = arith.constant 0 : i32
      %scan3A_88 = arith.constant 16 : i32
      %scan3A_89 = arith.addi %scan3A_87, %scan3A_88 : i32
      %scan3A_90 = arith.constant 1 : i32
      scf.for %scan3A_126 = %scan3A_87 to %scan3A_89 step %scan3A_90  : i32 {
        %mul3A_127 = arith.constant 1 : i32
        %mul3A_128 = arith.muli %scan3A_126, %mul3A_127 : i32
        %add3A_129 = arith.constant 0 : i32
        %add3A_130 = arith.addi %add3A_129, %mul3A_128 : i32
        %mul3A_131 = arith.constant 20 : i32
        %mul3A_132 = arith.muli %add3A_130, %mul3A_131 : i32
        %get3A = arith.index_cast %mul3A_132 : i32 to index
        %get3A_133 = arith.constant 0 : index
        %get3A_134 = tpu.vector_load %arg6[%get3A, %get3A_133] {strides = array<i32>} : memref<320x128xf32, #tpu.memory_space<vmem>>, vector<1x16xf32>,
        %get3A_135 = vector.shape_cast %get3A_134 : vector<1x16xf32> to vector<16xf32>
        %add3A_136 = arith.constant 1 : i32
        %add3A_137 = arith.addi %mul3A_132, %add3A_136 : i32
        %get3A_138 = arith.index_cast %add3A_137 : i32 to index
        %get3A_139 = arith.constant 0 : index
        %get3A_140 = tpu.vector_load %arg6[%get3A_138, %get3A_139] {strides = array<i32>} : memref<320x128xf32, #tpu.memory_space<vmem>>, vector<1x16xf32>,
        %get3A_141 = vector.shape_cast %get3A_140 : vector<1x16xf32> to vector<16xf32>
        %add3A_142 = arith.addf %get3A_135, %get3A_141 : vector<16xf32>
        %add3A_143 = arith.constant 2 : i32
        %add3A_144 = arith.addi %mul3A_132, %add3A_143 : i32
        %get3A_145 = arith.index_cast %add3A_144 : i32 to index
        %get3A_146 = arith.constant 0 : index
        %get3A_147 = tpu.vector_load %arg6[%get3A_145, %get3A_146] {strides = array<i32>} : memref<320x128xf32, #tpu.memory_space<vmem>>, vector<1x16xf32>,
        %get3A_148 = vector.shape_cast %get3A_147 : vector<1x16xf32> to vector<16xf32>
        %add3A_149 = arith.constant 3 : i32
        %add3A_150 = arith.addi %mul3A_132, %add3A_149 : i32
        %get3A_151 = arith.index_cast %add3A_150 : i32 to index
        %get3A_152 = arith.constant 0 : index
        %get3A_153 = tpu.vector_load %arg6[%get3A_151, %get3A_152] {strides = array<i32>} : memref<320x128xf32, #tpu.memory_space<vmem>>, vector<1x16xf32>,
        %get3A_154 = vector.shape_cast %get3A_153 : vector<1x16xf32> to vector<16xf32>
        %add3A_155 = arith.addf %get3A_148, %get3A_154 : vector<16xf32>
        %add3A_156 = arith.constant 4 : i32
        %add3A_157 = arith.addi %mul3A_132, %add3A_156 : i32
        %get3A_158 = arith.index_cast %add3A_157 : i32 to index
        %get3A_159 = arith.constant 0 : index
        %get3A_160 = tpu.vector_load %arg6[%get3A_158, %get3A_159] {strides = array<i32>} : memref<320x128xf32, #tpu.memory_space<vmem>>, vector<1x16xf32>,
        %get3A_161 = vector.shape_cast %get3A_160 : vector<1x16xf32> to vector<16xf32>
        %add3A_162 = arith.addf %add3A_142, %get3A_161 : vector<16xf32>
        %add3A_163 = arith.constant 4 : i32
        %add3A_164 = arith.addi %mul3A_132, %add3A_163 : i32
        %add3A_165 = arith.constant 1 : i32
        %add3A_166 = arith.addi %add3A_164, %add3A_165 : i32
        %get3A_167 = arith.index_cast %add3A_166 : i32 to index
        %get3A_168 = arith.constant 0 : index
        %get3A_169 = tpu.vector_load %arg6[%get3A_167, %get3A_168] {strides = array<i32>} : memref<320x128xf32, #tpu.memory_space<vmem>>, vector<1x16xf32>,
        %get3A_170 = vector.shape_cast %get3A_169 : vector<1x16xf32> to vector<16xf32>
        %add3A_171 = arith.addf %add3A_155, %get3A_170 : vector<16xf32>
        %add3A_172 = arith.constant 6 : i32
        %add3A_173 = arith.addi %mul3A_132, %add3A_172 : i32
        %get3A_174 = arith.index_cast %add3A_173 : i32 to index
        %get3A_175 = arith.constant 0 : index
        %get3A_176 = tpu.vector_load %arg6[%get3A_174, %get3A_175] {strides = array<i32>} : memref<320x128xf32, #tpu.memory_space<vmem>>, vector<1x16xf32>,
        %get3A_177 = vector.shape_cast %get3A_176 : vector<1x16xf32> to vector<16xf32>
        %add3A_178 = arith.addf %add3A_162, %get3A_177 : vector<16xf32>
        %add3A_179 = arith.constant 6 : i32
        %add3A_180 = arith.addi %mul3A_132, %add3A_179 : i32
        %add3A_181 = arith.constant 1 : i32
        %add3A_182 = arith.addi %add3A_180, %add3A_181 : i32
        %get3A_183 = arith.index_cast %add3A_182 : i32 to index
        %get3A_184 = arith.constant 0 : index
        %get3A_185 = tpu.vector_load %arg6[%get3A_183, %get3A_184] {strides = array<i32>} : memref<320x128xf32, #tpu.memory_space<vmem>>, vector<1x16xf32>,
        %get3A_186 = vector.shape_cast %get3A_185 : vector<1x16xf32> to vector<16xf32>
        %add3A_187 = arith.addf %add3A_171, %get3A_186 : vector<16xf32>
        %add3A_188 = arith.constant 8 : i32
        %add3A_189 = arith.addi %mul3A_132, %add3A_188 : i32
        %get3A_190 = arith.index_cast %add3A_189 : i32 to index
        %get3A_191 = arith.constant 0 : index
        %get3A_192 = tpu.vector_load %arg6[%get3A_190, %get3A_191] {strides = array<i32>} : memref<320x128xf32, #tpu.memory_space<vmem>>, vector<1x16xf32>,
        %get3A_193 = vector.shape_cast %get3A_192 : vector<1x16xf32> to vector<16xf32>
        %add3A_194 = arith.addf %add3A_178, %get3A_193 : vector<16xf32>
        %add3A_195 = arith.constant 8 : i32
        %add3A_196 = arith.addi %mul3A_132, %add3A_195 : i32
        %add3A_197 = arith.constant 1 : i32
        %add3A_198 = arith.addi %add3A_196, %add3A_197 : i32
        %get3A_199 = arith.index_cast %add3A_198 : i32 to index
        %get3A_200 = arith.constant 0 : index
        %get3A_201 = tpu.vector_load %arg6[%get3A_199, %get3A_200] {strides = array<i32>} : memref<320x128xf32, #tpu.memory_space<vmem>>, vector<1x16xf32>,
        %get3A_202 = vector.shape_cast %get3A_201 : vector<1x16xf32> to vector<16xf32>
        %add3A_203 = arith.addf %add3A_187, %get3A_202 : vector<16xf32>
        %add3A_204 = arith.constant 10 : i32
        %add3A_205 = arith.addi %mul3A_132, %add3A_204 : i32
        %get3A_206 = arith.index_cast %add3A_205 : i32 to index
        %get3A_207 = arith.constant 0 : index
        %get3A_208 = tpu.vector_load %arg6[%get3A_206, %get3A_207] {strides = array<i32>} : memref<320x128xf32, #tpu.memory_space<vmem>>, vector<1x16xf32>,
        %get3A_209 = vector.shape_cast %get3A_208 : vector<1x16xf32> to vector<16xf32>
        %add3A_210 = arith.addf %add3A_194, %get3A_209 : vector<16xf32>
        %add3A_211 = arith.constant 10 : i32
        %add3A_212 = arith.addi %mul3A_132, %add3A_211 : i32
        %add3A_213 = arith.constant 1 : i32
        %add3A_214 = arith.addi %add3A_212, %add3A_213 : i32
        %get3A_215 = arith.index_cast %add3A_214 : i32 to index
        %get3A_216 = arith.constant 0 : index
        %get3A_217 = tpu.vector_load %arg6[%get3A_215, %get3A_216] {strides = array<i32>} : memref<320x128xf32, #tpu.memory_space<vmem>>, vector<1x16xf32>,
        %get3A_218 = vector.shape_cast %get3A_217 : vector<1x16xf32> to vector<16xf32>
        %add3A_219 = arith.addf %add3A_203, %get3A_218 : vector<16xf32>
        %add3A_220 = arith.constant 12 : i32
        %add3A_221 = arith.addi %mul3A_132, %add3A_220 : i32
        %get3A_222 = arith.index_cast %add3A_221 : i32 to index
        %get3A_223 = arith.constant 0 : index
        %get3A_224 = tpu.vector_load %arg6[%get3A_222, %get3A_223] {strides = array<i32>} : memref<320x128xf32, #tpu.memory_space<vmem>>, vector<1x16xf32>,
        %get3A_225 = vector.shape_cast %get3A_224 : vector<1x16xf32> to vector<16xf32>
        %add3A_226 = arith.addf %add3A_210, %get3A_225 : vector<16xf32>
        %add3A_227 = arith.constant 12 : i32
        %add3A_228 = arith.addi %mul3A_132, %add3A_227 : i32
        %add3A_229 = arith.constant 1 : i32
        %add3A_230 = arith.addi %add3A_228, %add3A_229 : i32
        %get3A_231 = arith.index_cast %add3A_230 : i32 to index
        %get3A_232 = arith.constant 0 : index
        %get3A_233 = tpu.vector_load %arg6[%get3A_231, %get3A_232] {strides = array<i32>} : memref<320x128xf32, #tpu.memory_space<vmem>>, vector<1x16xf32>,
        %get3A_234 = vector.shape_cast %get3A_233 : vector<1x16xf32> to vector<16xf32>
        %add3A_235 = arith.addf %add3A_219, %get3A_234 : vector<16xf32>
        %add3A_236 = arith.constant 14 : i32
        %add3A_237 = arith.addi %mul3A_132, %add3A_236 : i32
        %get3A_238 = arith.index_cast %add3A_237 : i32 to index
        %get3A_239 = arith.constant 0 : index
        %get3A_240 = tpu.vector_load %arg6[%get3A_238, %get3A_239] {strides = array<i32>} : memref<320x128xf32, #tpu.memory_space<vmem>>, vector<1x16xf32>,
        %get3A_241 = vector.shape_cast %get3A_240 : vector<1x16xf32> to vector<16xf32>
        %add3A_242 = arith.addf %add3A_226, %get3A_241 : vector<16xf32>
        %add3A_243 = arith.constant 14 : i32
        %add3A_244 = arith.addi %mul3A_132, %add3A_243 : i32
        %add3A_245 = arith.constant 1 : i32
        %add3A_246 = arith.addi %add3A_244, %add3A_245 : i32
        %get3A_247 = arith.index_cast %add3A_246 : i32 to index
        %get3A_248 = arith.constant 0 : index
        %get3A_249 = tpu.vector_load %arg6[%get3A_247, %get3A_248] {strides = array<i32>} : memref<320x128xf32, #tpu.memory_space<vmem>>, vector<1x16xf32>,
        %get3A_250 = vector.shape_cast %get3A_249 : vector<1x16xf32> to vector<16xf32>
        %add3A_251 = arith.addf %add3A_235, %get3A_250 : vector<16xf32>
        %add3A_252 = arith.constant 16 : i32
        %add3A_253 = arith.addi %mul3A_132, %add3A_252 : i32
        %get3A_254 = arith.index_cast %add3A_253 : i32 to index
        %get3A_255 = arith.constant 0 : index
        %get3A_256 = tpu.vector_load %arg6[%get3A_254, %get3A_255] {strides = array<i32>} : memref<320x128xf32, #tpu.memory_space<vmem>>, vector<1x16xf32>,
        %get3A_257 = vector.shape_cast %get3A_256 : vector<1x16xf32> to vector<16xf32>
        %add3A_258 = arith.addf %add3A_242, %get3A_257 : vector<16xf32>
        %add3A_259 = arith.constant 16 : i32
        %add3A_260 = arith.addi %mul3A_132, %add3A_259 : i32
        %add3A_261 = arith.constant 1 : i32
        %add3A_262 = arith.addi %add3A_260, %add3A_261 : i32
        %get3A_263 = arith.index_cast %add3A_262 : i32 to index
        %get3A_264 = arith.constant 0 : index
        %get3A_265 = tpu.vector_load %arg6[%get3A_263, %get3A_264] {strides = array<i32>} : memref<320x128xf32, #tpu.memory_space<vmem>>, vector<1x16xf32>,
        %get3A_266 = vector.shape_cast %get3A_265 : vector<1x16xf32> to vector<16xf32>
        %add3A_267 = arith.addf %add3A_251, %get3A_266 : vector<16xf32>
        %add3A_268 = arith.constant 18 : i32
        %add3A_269 = arith.addi %mul3A_132, %add3A_268 : i32
        %get3A_270 = arith.index_cast %add3A_269 : i32 to index
        %get3A_271 = arith.constant 0 : index
        %get3A_272 = tpu.vector_load %arg6[%get3A_270, %get3A_271] {strides = array<i32>} : memref<320x128xf32, #tpu.memory_space<vmem>>, vector<1x16xf32>,
        %get3A_273 = vector.shape_cast %get3A_272 : vector<1x16xf32> to vector<16xf32>
        %add3A_274 = arith.addf %add3A_258, %get3A_273 : vector<16xf32>
        %add3A_275 = arith.constant 18 : i32
        %add3A_276 = arith.addi %mul3A_132, %add3A_275 : i32
        %add3A_277 = arith.constant 1 : i32
        %add3A_278 = arith.addi %add3A_276, %add3A_277 : i32
        %get3A_279 = arith.index_cast %add3A_278 : i32 to index
        %get3A_280 = arith.constant 0 : index
        %get3A_281 = tpu.vector_load %arg6[%get3A_279, %get3A_280] {strides = array<i32>} : memref<320x128xf32, #tpu.memory_space<vmem>>, vector<1x16xf32>,
        %get3A_282 = vector.shape_cast %get3A_281 : vector<1x16xf32> to vector<16xf32>
        %add3A_283 = arith.addf %add3A_267, %get3A_282 : vector<16xf32>
        %add3A_284 = arith.addf %add3A_274, %add3A_283 : vector<16xf32>
        %mul3A_285 = arith.constant 5.000000e-02 : f32
        %mul3A_286 = vector.broadcast %mul3A_285 : f32 to vector<16xf32>
        %mul3A_287 = arith.mulf %add3A_284, %mul3A_286 : vector<16xf32>
        %mul3A_288 = arith.constant 64 : i32
        %mul3A_289 = arith.muli %add3A_130, %mul3A_288 : i32
        %add3A_290 = arith.constant 0 : i32
        %add3A_291 = arith.addi %mul3A_289, %add3A_290 : i32
        %swap3A = arith.index_cast %add3A_291 : i32 to index
        %swap3A_292 = tpu.vector_load %arg8[%swap3A] {strides = array<i32>} : memref<1024xf32, #tpu.memory_space<vmem>>, vector<16xf32>,
        %swap3A_293 = vector.shape_cast %swap3A_292 : vector<16xf32> to vector<16xf32>
        %swap3A_294 = vector.shape_cast %mul3A_287 : vector<16xf32> to vector<16xf32>
        tpu.vector_store %arg8[%swap3A], %swap3A_294 {strides = array<i32>} : memref<1024xf32, #tpu.memory_space<vmem>>, vector<16xf32>,
        %get3A_295 = arith.index_cast %mul3A_132 : i32 to index
        %get3A_296 = arith.constant 16 : index
        %get3A_297 = tpu.vector_load %arg6[%get3A_295, %get3A_296] {strides = array<i32>} : memref<320x128xf32, #tpu.memory_space<vmem>>, vector<1x16xf32>,
        %get3A_298 = vector.shape_cast %get3A_297 : vector<1x16xf32> to vector<16xf32>
        %add3A_299 = arith.constant 1 : i32
        %add3A_300 = arith.addi %mul3A_132, %add3A_299 : i32
        %get3A_301 = arith.index_cast %add3A_300 : i32 to index
        %get3A_302 = arith.constant 16 : index
        %get3A_303 = tpu.vector_load %arg6[%get3A_301, %get3A_302] {strides = array<i32>} : memref<320x128xf32, #tpu.memory_space<vmem>>, vector<1x16xf32>,
        %get3A_304 = vector.shape_cast %get3A_303 : vector<1x16xf32> to vector<16xf32>
        %add3A_305 = arith.addf %get3A_298, %get3A_304 : vector<16xf32>
        %add3A_306 = arith.constant 2 : i32
        %add3A_307 = arith.addi %mul3A_132, %add3A_306 : i32
        %get3A_308 = arith.index_cast %add3A_307 : i32 to index
        %get3A_309 = arith.constant 16 : index
        %get3A_310 = tpu.vector_load %arg6[%get3A_308, %get3A_309] {strides = array<i32>} : memref<320x128xf32, #tpu.memory_space<vmem>>, vector<1x16xf32>,
        %get3A_311 = vector.shape_cast %get3A_310 : vector<1x16xf32> to vector<16xf32>
        %add3A_312 = arith.constant 3 : i32
        %add3A_313 = arith.addi %mul3A_132, %add3A_312 : i32
        %get3A_314 = arith.index_cast %add3A_313 : i32 to index
        %get3A_315 = arith.constant 16 : index
        %get3A_316 = tpu.vector_load %arg6[%get3A_314, %get3A_315] {strides = array<i32>} : memref<320x128xf32, #tpu.memory_space<vmem>>, vector<1x16xf32>,
        %get3A_317 = vector.shape_cast %get3A_316 : vector<1x16xf32> to vector<16xf32>
        %add3A_318 = arith.addf %get3A_311, %get3A_317 : vector<16xf32>
        %add3A_319 = arith.constant 4 : i32
        %add3A_320 = arith.addi %mul3A_132, %add3A_319 : i32
        %get3A_321 = arith.index_cast %add3A_320 : i32 to index
        %get3A_322 = arith.constant 16 : index
        %get3A_323 = tpu.vector_load %arg6[%get3A_321, %get3A_322] {strides = array<i32>} : memref<320x128xf32, #tpu.memory_space<vmem>>, vector<1x16xf32>,
        %get3A_324 = vector.shape_cast %get3A_323 : vector<1x16xf32> to vector<16xf32>
        %add3A_325 = arith.addf %add3A_305, %get3A_324 : vector<16xf32>
        %add3A_326 = arith.constant 4 : i32
        %add3A_327 = arith.addi %mul3A_132, %add3A_326 : i32
        %add3A_328 = arith.constant 1 : i32
        %add3A_329 = arith.addi %add3A_327, %add3A_328 : i32
        %get3A_330 = arith.index_cast %add3A_329 : i32 to index
        %get3A_331 = arith.constant 16 : index
        %get3A_332 = tpu.vector_load %arg6[%get3A_330, %get3A_331] {strides = array<i32>} : memref<320x128xf32, #tpu.memory_space<vmem>>, vector<1x16xf32>,
        %get3A_333 = vector.shape_cast %get3A_332 : vector<1x16xf32> to vector<16xf32>
        %add3A_334 = arith.addf %add3A_318, %get3A_333 : vector<16xf32>
        %add3A_335 = arith.constant 6 : i32
        %add3A_336 = arith.addi %mul3A_132, %add3A_335 : i32
        %get3A_337 = arith.index_cast %add3A_336 : i32 to index
        %get3A_338 = arith.constant 16 : index
        %get3A_339 = tpu.vector_load %arg6[%get3A_337, %get3A_338] {strides = array<i32>} : memref<320x128xf32, #tpu.memory_space<vmem>>, vector<1x16xf32>,
        %get3A_340 = vector.shape_cast %get3A_339 : vector<1x16xf32> to vector<16xf32>
        %add3A_341 = arith.addf %add3A_325, %get3A_340 : vector<16xf32>
        %add3A_342 = arith.constant 6 : i32
        %add3A_343 = arith.addi %mul3A_132, %add3A_342 : i32
        %add3A_344 = arith.constant 1 : i32
        %add3A_345 = arith.addi %add3A_343, %add3A_344 : i32
        %get3A_346 = arith.index_cast %add3A_345 : i32 to index
        %get3A_347 = arith.constant 16 : index
        %get3A_348 = tpu.vector_load %arg6[%get3A_346, %get3A_347] {strides = array<i32>} : memref<320x128xf32, #tpu.memory_space<vmem>>, vector<1x16xf32>,
        %get3A_349 = vector.shape_cast %get3A_348 : vector<1x16xf32> to vector<16xf32>
        %add3A_350 = arith.addf %add3A_334, %get3A_349 : vector<16xf32>
        %add3A_351 = arith.constant 8 : i32
        %add3A_352 = arith.addi %mul3A_132, %add3A_351 : i32
        %get3A_353 = arith.index_cast %add3A_352 : i32 to index
        %get3A_354 = arith.constant 16 : index
        %get3A_355 = tpu.vector_load %arg6[%get3A_353, %get3A_354] {strides = array<i32>} : memref<320x128xf32, #tpu.memory_space<vmem>>, vector<1x16xf32>,
        %get3A_356 = vector.shape_cast %get3A_355 : vector<1x16xf32> to vector<16xf32>
        %add3A_357 = arith.addf %add3A_341, %get3A_356 : vector<16xf32>
        %add3A_358 = arith.constant 8 : i32
        %add3A_359 = arith.addi %mul3A_132, %add3A_358 : i32
        %add3A_360 = arith.constant 1 : i32
        %add3A_361 = arith.addi %add3A_359, %add3A_360 : i32
        %get3A_362 = arith.index_cast %add3A_361 : i32 to index
        %get3A_363 = arith.constant 16 : index
        %get3A_364 = tpu.vector_load %arg6[%get3A_362, %get3A_363] {strides = array<i32>} : memref<320x128xf32, #tpu.memory_space<vmem>>, vector<1x16xf32>,
        %get3A_365 = vector.shape_cast %get3A_364 : vector<1x16xf32> to vector<16xf32>
        %add3A_366 = arith.addf %add3A_350, %get3A_365 : vector<16xf32>
        %add3A_367 = arith.constant 10 : i32
        %add3A_368 = arith.addi %mul3A_132, %add3A_367 : i32
        %get3A_369 = arith.index_cast %add3A_368 : i32 to index
        %get3A_370 = arith.constant 16 : index
        %get3A_371 = tpu.vector_load %arg6[%get3A_369, %get3A_370] {strides = array<i32>} : memref<320x128xf32, #tpu.memory_space<vmem>>, vector<1x16xf32>,
        %get3A_372 = vector.shape_cast %get3A_371 : vector<1x16xf32> to vector<16xf32>
        %add3A_373 = arith.addf %add3A_357, %get3A_372 : vector<16xf32>
        %add3A_374 = arith.constant 10 : i32
        %add3A_375 = arith.addi %mul3A_132, %add3A_374 : i32
        %add3A_376 = arith.constant 1 : i32
        %add3A_377 = arith.addi %add3A_375, %add3A_376 : i32
        %get3A_378 = arith.index_cast %add3A_377 : i32 to index
        %get3A_379 = arith.constant 16 : index
        %get3A_380 = tpu.vector_load %arg6[%get3A_378, %get3A_379] {strides = array<i32>} : memref<320x128xf32, #tpu.memory_space<vmem>>, vector<1x16xf32>,
        %get3A_381 = vector.shape_cast %get3A_380 : vector<1x16xf32> to vector<16xf32>
        %add3A_382 = arith.addf %add3A_366, %get3A_381 : vector<16xf32>
        %add3A_383 = arith.constant 12 : i32
        %add3A_384 = arith.addi %mul3A_132, %add3A_383 : i32
        %get3A_385 = arith.index_cast %add3A_384 : i32 to index
        %get3A_386 = arith.constant 16 : index
        %get3A_387 = tpu.vector_load %arg6[%get3A_385, %get3A_386] {strides = array<i32>} : memref<320x128xf32, #tpu.memory_space<vmem>>, vector<1x16xf32>,
        %get3A_388 = vector.shape_cast %get3A_387 : vector<1x16xf32> to vector<16xf32>
        %add3A_389 = arith.addf %add3A_373, %get3A_388 : vector<16xf32>
        %add3A_390 = arith.constant 12 : i32
        %add3A_391 = arith.addi %mul3A_132, %add3A_390 : i32
        %add3A_392 = arith.constant 1 : i32
        %add3A_393 = arith.addi %add3A_391, %add3A_392 : i32
        %get3A_394 = arith.index_cast %add3A_393 : i32 to index
        %get3A_395 = arith.constant 16 : index
        %get3A_396 = tpu.vector_load %arg6[%get3A_394, %get3A_395] {strides = array<i32>} : memref<320x128xf32, #tpu.memory_space<vmem>>, vector<1x16xf32>,
        %get3A_397 = vector.shape_cast %get3A_396 : vector<1x16xf32> to vector<16xf32>
        %add3A_398 = arith.addf %add3A_382, %get3A_397 : vector<16xf32>
        %add3A_399 = arith.constant 14 : i32
        %add3A_400 = arith.addi %mul3A_132, %add3A_399 : i32
        %get3A_401 = arith.index_cast %add3A_400 : i32 to index
        %get3A_402 = arith.constant 16 : index
        %get3A_403 = tpu.vector_load %arg6[%get3A_401, %get3A_402] {strides = array<i32>} : memref<320x128xf32, #tpu.memory_space<vmem>>, vector<1x16xf32>,
        %get3A_404 = vector.shape_cast %get3A_403 : vector<1x16xf32> to vector<16xf32>
        %add3A_405 = arith.addf %add3A_389, %get3A_404 : vector<16xf32>
        %add3A_406 = arith.constant 14 : i32
        %add3A_407 = arith.addi %mul3A_132, %add3A_406 : i32
        %add3A_408 = arith.constant 1 : i32
        %add3A_409 = arith.addi %add3A_407, %add3A_408 : i32
        %get3A_410 = arith.index_cast %add3A_409 : i32 to index
        %get3A_411 = arith.constant 16 : index
        %get3A_412 = tpu.vector_load %arg6[%get3A_410, %get3A_411] {strides = array<i32>} : memref<320x128xf32, #tpu.memory_space<vmem>>, vector<1x16xf32>,
        %get3A_413 = vector.shape_cast %get3A_412 : vector<1x16xf32> to vector<16xf32>
        %add3A_414 = arith.addf %add3A_398, %get3A_413 : vector<16xf32>
        %add3A_415 = arith.constant 16 : i32
        %add3A_416 = arith.addi %mul3A_132, %add3A_415 : i32
        %get3A_417 = arith.index_cast %add3A_416 : i32 to index
        %get3A_418 = arith.constant 16 : index
        %get3A_419 = tpu.vector_load %arg6[%get3A_417, %get3A_418] {strides = array<i32>} : memref<320x128xf32, #tpu.memory_space<vmem>>, vector<1x16xf32>,
        %get3A_420 = vector.shape_cast %get3A_419 : vector<1x16xf32> to vector<16xf32>
        %add3A_421 = arith.addf %add3A_405, %get3A_420 : vector<16xf32>
        %add3A_422 = arith.constant 16 : i32
        %add3A_423 = arith.addi %mul3A_132, %add3A_422 : i32
        %add3A_424 = arith.constant 1 : i32
        %add3A_425 = arith.addi %add3A_423, %add3A_424 : i32
        %get3A_426 = arith.index_cast %add3A_425 : i32 to index
        %get3A_427 = arith.constant 16 : index
        %get3A_428 = tpu.vector_load %arg6[%get3A_426, %get3A_427] {strides = array<i32>} : memref<320x128xf32, #tpu.memory_space<vmem>>, vector<1x16xf32>,
        %get3A_429 = vector.shape_cast %get3A_428 : vector<1x16xf32> to vector<16xf32>
        %add3A_430 = arith.addf %add3A_414, %get3A_429 : vector<16xf32>
        %add3A_431 = arith.constant 18 : i32
        %add3A_432 = arith.addi %mul3A_132, %add3A_431 : i32
        %get3A_433 = arith.index_cast %add3A_432 : i32 to index
        %get3A_434 = arith.constant 16 : index
        %get3A_435 = tpu.vector_load %arg6[%get3A_433, %get3A_434] {strides = array<i32>} : memref<320x128xf32, #tpu.memory_space<vmem>>, vector<1x16xf32>,
        %get3A_436 = vector.shape_cast %get3A_435 : vector<1x16xf32> to vector<16xf32>
        %add3A_437 = arith.addf %add3A_421, %get3A_436 : vector<16xf32>
        %add3A_438 = arith.constant 18 : i32
        %add3A_439 = arith.addi %mul3A_132, %add3A_438 : i32
        %add3A_440 = arith.constant 1 : i32
        %add3A_441 = arith.addi %add3A_439, %add3A_440 : i32
        %get3A_442 = arith.index_cast %add3A_441 : i32 to index
        %get3A_443 = arith.constant 16 : index
        %get3A_444 = tpu.vector_load %arg6[%get3A_442, %get3A_443] {strides = array<i32>} : memref<320x128xf32, #tpu.memory_space<vmem>>, vector<1x16xf32>,
        %get3A_445 = vector.shape_cast %get3A_444 : vector<1x16xf32> to vector<16xf32>
        %add3A_446 = arith.addf %add3A_430, %get3A_445 : vector<16xf32>
        %add3A_447 = arith.addf %add3A_437, %add3A_446 : vector<16xf32>
        %mul3A_448 = arith.constant 5.000000e-02 : f32
        %mul3A_449 = vector.broadcast %mul3A_448 : f32 to vector<16xf32>
        %mul3A_450 = arith.mulf %add3A_447, %mul3A_449 : vector<16xf32>
        %mul3A_451 = arith.constant 64 : i32
        %mul3A_452 = arith.muli %add3A_130, %mul3A_451 : i32
        %add3A_453 = arith.constant 16 : i32
        %add3A_454 = arith.addi %mul3A_452, %add3A_453 : i32
        %swap3A_455 = arith.index_cast %add3A_454 : i32 to index
        %swap3A_456 = tpu.vector_load %arg8[%swap3A_455] {strides = array<i32>} : memref<1024xf32, #tpu.memory_space<vmem>>, vector<16xf32>,
        %swap3A_457 = vector.shape_cast %swap3A_456 : vector<16xf32> to vector<16xf32>
        %swap3A_458 = vector.shape_cast %mul3A_450 : vector<16xf32> to vector<16xf32>
        tpu.vector_store %arg8[%swap3A_455], %swap3A_458 {strides = array<i32>} : memref<1024xf32, #tpu.memory_space<vmem>>, vector<16xf32>,
        %get3A_459 = arith.index_cast %mul3A_132 : i32 to index
        %get3A_460 = arith.constant 32 : index
        %get3A_461 = tpu.vector_load %arg6[%get3A_459, %get3A_460] {strides = array<i32>} : memref<320x128xf32, #tpu.memory_space<vmem>>, vector<1x16xf32>,
        %get3A_462 = vector.shape_cast %get3A_461 : vector<1x16xf32> to vector<16xf32>
        %add3A_463 = arith.constant 1 : i32
        %add3A_464 = arith.addi %mul3A_132, %add3A_463 : i32
        %get3A_465 = arith.index_cast %add3A_464 : i32 to index
        %get3A_466 = arith.constant 32 : index
        %get3A_467 = tpu.vector_load %arg6[%get3A_465, %get3A_466] {strides = array<i32>} : memref<320x128xf32, #tpu.memory_space<vmem>>, vector<1x16xf32>,
        %get3A_468 = vector.shape_cast %get3A_467 : vector<1x16xf32> to vector<16xf32>
        %add3A_469 = arith.addf %get3A_462, %get3A_468 : vector<16xf32>
        %add3A_470 = arith.constant 2 : i32
        %add3A_471 = arith.addi %mul3A_132, %add3A_470 : i32
        %get3A_472 = arith.index_cast %add3A_471 : i32 to index
        %get3A_473 = arith.constant 32 : index
        %get3A_474 = tpu.vector_load %arg6[%get3A_472, %get3A_473] {strides = array<i32>} : memref<320x128xf32, #tpu.memory_space<vmem>>, vector<1x16xf32>,
        %get3A_475 = vector.shape_cast %get3A_474 : vector<1x16xf32> to vector<16xf32>
        %add3A_476 = arith.constant 3 : i32
        %add3A_477 = arith.addi %mul3A_132, %add3A_476 : i32
        %get3A_478 = arith.index_cast %add3A_477 : i32 to index
        %get3A_479 = arith.constant 32 : index
        %get3A_480 = tpu.vector_load %arg6[%get3A_478, %get3A_479] {strides = array<i32>} : memref<320x128xf32, #tpu.memory_space<vmem>>, vector<1x16xf32>,
        %get3A_481 = vector.shape_cast %get3A_480 : vector<1x16xf32> to vector<16xf32>
        %add3A_482 = arith.addf %get3A_475, %get3A_481 : vector<16xf32>
        %add3A_483 = arith.constant 4 : i32
        %add3A_484 = arith.addi %mul3A_132, %add3A_483 : i32
        %get3A_485 = arith.index_cast %add3A_484 : i32 to index
        %get3A_486 = arith.constant 32 : index
        %get3A_487 = tpu.vector_load %arg6[%get3A_485, %get3A_486] {strides = array<i32>} : memref<320x128xf32, #tpu.memory_space<vmem>>, vector<1x16xf32>,
        %get3A_488 = vector.shape_cast %get3A_487 : vector<1x16xf32> to vector<16xf32>
        %add3A_489 = arith.addf %add3A_469, %get3A_488 : vector<16xf32>
        %add3A_490 = arith.constant 4 : i32
        %add3A_491 = arith.addi %mul3A_132, %add3A_490 : i32
        %add3A_492 = arith.constant 1 : i32
        %add3A_493 = arith.addi %add3A_491, %add3A_492 : i32
        %get3A_494 = arith.index_cast %add3A_493 : i32 to index
        %get3A_495 = arith.constant 32 : index
        %get3A_496 = tpu.vector_load %arg6[%get3A_494, %get3A_495] {strides = array<i32>} : memref<320x128xf32, #tpu.memory_space<vmem>>, vector<1x16xf32>,
        %get3A_497 = vector.shape_cast %get3A_496 : vector<1x16xf32> to vector<16xf32>
        %add3A_498 = arith.addf %add3A_482, %get3A_497 : vector<16xf32>
        %add3A_499 = arith.constant 6 : i32
        %add3A_500 = arith.addi %mul3A_132, %add3A_499 : i32
        %get3A_501 = arith.index_cast %add3A_500 : i32 to index
        %get3A_502 = arith.constant 32 : index
        %get3A_503 = tpu.vector_load %arg6[%get3A_501, %get3A_502] {strides = array<i32>} : memref<320x128xf32, #tpu.memory_space<vmem>>, vector<1x16xf32>,
        %get3A_504 = vector.shape_cast %get3A_503 : vector<1x16xf32> to vector<16xf32>
        %add3A_505 = arith.addf %add3A_489, %get3A_504 : vector<16xf32>
        %add3A_506 = arith.constant 6 : i32
        %add3A_507 = arith.addi %mul3A_132, %add3A_506 : i32
        %add3A_508 = arith.constant 1 : i32
        %add3A_509 = arith.addi %add3A_507, %add3A_508 : i32
        %get3A_510 = arith.index_cast %add3A_509 : i32 to index
        %get3A_511 = arith.constant 32 : index
        %get3A_512 = tpu.vector_load %arg6[%get3A_510, %get3A_511] {strides = array<i32>} : memref<320x128xf32, #tpu.memory_space<vmem>>, vector<1x16xf32>,
        %get3A_513 = vector.shape_cast %get3A_512 : vector<1x16xf32> to vector<16xf32>
        %add3A_514 = arith.addf %add3A_498, %get3A_513 : vector<16xf32>
        %add3A_515 = arith.constant 8 : i32
        %add3A_516 = arith.addi %mul3A_132, %add3A_515 : i32
        %get3A_517 = arith.index_cast %add3A_516 : i32 to index
        %get3A_518 = arith.constant 32 : index
        %get3A_519 = tpu.vector_load %arg6[%get3A_517, %get3A_518] {strides = array<i32>} : memref<320x128xf32, #tpu.memory_space<vmem>>, vector<1x16xf32>,
        %get3A_520 = vector.shape_cast %get3A_519 : vector<1x16xf32> to vector<16xf32>
        %add3A_521 = arith.addf %add3A_505, %get3A_520 : vector<16xf32>
        %add3A_522 = arith.constant 8 : i32
        %add3A_523 = arith.addi %mul3A_132, %add3A_522 : i32
        %add3A_524 = arith.constant 1 : i32
        %add3A_525 = arith.addi %add3A_523, %add3A_524 : i32
        %get3A_526 = arith.index_cast %add3A_525 : i32 to index
        %get3A_527 = arith.constant 32 : index
        %get3A_528 = tpu.vector_load %arg6[%get3A_526, %get3A_527] {strides = array<i32>} : memref<320x128xf32, #tpu.memory_space<vmem>>, vector<1x16xf32>,
        %get3A_529 = vector.shape_cast %get3A_528 : vector<1x16xf32> to vector<16xf32>
        %add3A_530 = arith.addf %add3A_514, %get3A_529 : vector<16xf32>
        %add3A_531 = arith.constant 10 : i32
        %add3A_532 = arith.addi %mul3A_132, %add3A_531 : i32
        %get3A_533 = arith.index_cast %add3A_532 : i32 to index
        %get3A_534 = arith.constant 32 : index
        %get3A_535 = tpu.vector_load %arg6[%get3A_533, %get3A_534] {strides = array<i32>} : memref<320x128xf32, #tpu.memory_space<vmem>>, vector<1x16xf32>,
        %get3A_536 = vector.shape_cast %get3A_535 : vector<1x16xf32> to vector<16xf32>
        %add3A_537 = arith.addf %add3A_521, %get3A_536 : vector<16xf32>
        %add3A_538 = arith.constant 10 : i32
        %add3A_539 = arith.addi %mul3A_132, %add3A_538 : i32
        %add3A_540 = arith.constant 1 : i32
        %add3A_541 = arith.addi %add3A_539, %add3A_540 : i32
        %get3A_542 = arith.index_cast %add3A_541 : i32 to index
        %get3A_543 = arith.constant 32 : index
        %get3A_544 = tpu.vector_load %arg6[%get3A_542, %get3A_543] {strides = array<i32>} : memref<320x128xf32, #tpu.memory_space<vmem>>, vector<1x16xf32>,
        %get3A_545 = vector.shape_cast %get3A_544 : vector<1x16xf32> to vector<16xf32>
        %add3A_546 = arith.addf %add3A_530, %get3A_545 : vector<16xf32>
        %add3A_547 = arith.constant 12 : i32
        %add3A_548 = arith.addi %mul3A_132, %add3A_547 : i32
        %get3A_549 = arith.index_cast %add3A_548 : i32 to index
        %get3A_550 = arith.constant 32 : index
        %get3A_551 = tpu.vector_load %arg6[%get3A_549, %get3A_550] {strides = array<i32>} : memref<320x128xf32, #tpu.memory_space<vmem>>, vector<1x16xf32>,
        %get3A_552 = vector.shape_cast %get3A_551 : vector<1x16xf32> to vector<16xf32>
        %add3A_553 = arith.addf %add3A_537, %get3A_552 : vector<16xf32>
        %add3A_554 = arith.constant 12 : i32
        %add3A_555 = arith.addi %mul3A_132, %add3A_554 : i32
        %add3A_556 = arith.constant 1 : i32
        %add3A_557 = arith.addi %add3A_555, %add3A_556 : i32
        %get3A_558 = arith.index_cast %add3A_557 : i32 to index
        %get3A_559 = arith.constant 32 : index
        %get3A_560 = tpu.vector_load %arg6[%get3A_558, %get3A_559] {strides = array<i32>} : memref<320x128xf32, #tpu.memory_space<vmem>>, vector<1x16xf32>,
        %get3A_561 = vector.shape_cast %get3A_560 : vector<1x16xf32> to vector<16xf32>
        %add3A_562 = arith.addf %add3A_546, %get3A_561 : vector<16xf32>
        %add3A_563 = arith.constant 14 : i32
        %add3A_564 = arith.addi %mul3A_132, %add3A_563 : i32
        %get3A_565 = arith.index_cast %add3A_564 : i32 to index
        %get3A_566 = arith.constant 32 : index
        %get3A_567 = tpu.vector_load %arg6[%get3A_565, %get3A_566] {strides = array<i32>} : memref<320x128xf32, #tpu.memory_space<vmem>>, vector<1x16xf32>,
        %get3A_568 = vector.shape_cast %get3A_567 : vector<1x16xf32> to vector<16xf32>
        %add3A_569 = arith.addf %add3A_553, %get3A_568 : vector<16xf32>
        %add3A_570 = arith.constant 14 : i32
        %add3A_571 = arith.addi %mul3A_132, %add3A_570 : i32
        %add3A_572 = arith.constant 1 : i32
        %add3A_573 = arith.addi %add3A_571, %add3A_572 : i32
        %get3A_574 = arith.index_cast %add3A_573 : i32 to index
        %get3A_575 = arith.constant 32 : index
        %get3A_576 = tpu.vector_load %arg6[%get3A_574, %get3A_575] {strides = array<i32>} : memref<320x128xf32, #tpu.memory_space<vmem>>, vector<1x16xf32>,
        %get3A_577 = vector.shape_cast %get3A_576 : vector<1x16xf32> to vector<16xf32>
        %add3A_578 = arith.addf %add3A_562, %get3A_577 : vector<16xf32>
        %add3A_579 = arith.constant 16 : i32
        %add3A_580 = arith.addi %mul3A_132, %add3A_579 : i32
        %get3A_581 = arith.index_cast %add3A_580 : i32 to index
        %get3A_582 = arith.constant 32 : index
        %get3A_583 = tpu.vector_load %arg6[%get3A_581, %get3A_582] {strides = array<i32>} : memref<320x128xf32, #tpu.memory_space<vmem>>, vector<1x16xf32>,
        %get3A_584 = vector.shape_cast %get3A_583 : vector<1x16xf32> to vector<16xf32>
        %add3A_585 = arith.addf %add3A_569, %get3A_584 : vector<16xf32>
        %add3A_586 = arith.constant 16 : i32
        %add3A_587 = arith.addi %mul3A_132, %add3A_586 : i32
        %add3A_588 = arith.constant 1 : i32
        %add3A_589 = arith.addi %add3A_587, %add3A_588 : i32
        %get3A_590 = arith.index_cast %add3A_589 : i32 to index
        %get3A_591 = arith.constant 32 : index
        %get3A_592 = tpu.vector_load %arg6[%get3A_590, %get3A_591] {strides = array<i32>} : memref<320x128xf32, #tpu.memory_space<vmem>>, vector<1x16xf32>,
        %get3A_593 = vector.shape_cast %get3A_592 : vector<1x16xf32> to vector<16xf32>
        %add3A_594 = arith.addf %add3A_578, %get3A_593 : vector<16xf32>
        %add3A_595 = arith.constant 18 : i32
        %add3A_596 = arith.addi %mul3A_132, %add3A_595 : i32
        %get3A_597 = arith.index_cast %add3A_596 : i32 to index
        %get3A_598 = arith.constant 32 : index
        %get3A_599 = tpu.vector_load %arg6[%get3A_597, %get3A_598] {strides = array<i32>} : memref<320x128xf32, #tpu.memory_space<vmem>>, vector<1x16xf32>,
        %get3A_600 = vector.shape_cast %get3A_599 : vector<1x16xf32> to vector<16xf32>
        %add3A_601 = arith.addf %add3A_585, %get3A_600 : vector<16xf32>
        %add3A_602 = arith.constant 18 : i32
        %add3A_603 = arith.addi %mul3A_132, %add3A_602 : i32
        %add3A_604 = arith.constant 1 : i32
        %add3A_605 = arith.addi %add3A_603, %add3A_604 : i32
        %get3A_606 = arith.index_cast %add3A_605 : i32 to index
        %get3A_607 = arith.constant 32 : index
        %get3A_608 = tpu.vector_load %arg6[%get3A_606, %get3A_607] {strides = array<i32>} : memref<320x128xf32, #tpu.memory_space<vmem>>, vector<1x16xf32>,
        %get3A_609 = vector.shape_cast %get3A_608 : vector<1x16xf32> to vector<16xf32>
        %add3A_610 = arith.addf %add3A_594, %get3A_609 : vector<16xf32>
        %add3A_611 = arith.addf %add3A_601, %add3A_610 : vector<16xf32>
        %mul3A_612 = arith.constant 5.000000e-02 : f32
        %mul3A_613 = vector.broadcast %mul3A_612 : f32 to vector<16xf32>
        %mul3A_614 = arith.mulf %add3A_611, %mul3A_613 : vector<16xf32>
        %mul3A_615 = arith.constant 64 : i32
        %mul3A_616 = arith.muli %add3A_130, %mul3A_615 : i32
        %add3A_617 = arith.constant 32 : i32
        %add3A_618 = arith.addi %mul3A_616, %add3A_617 : i32
        %swap3A_619 = arith.index_cast %add3A_618 : i32 to index
        %swap3A_620 = tpu.vector_load %arg8[%swap3A_619] {strides = array<i32>} : memref<1024xf32, #tpu.memory_space<vmem>>, vector<16xf32>,
        %swap3A_621 = vector.shape_cast %swap3A_620 : vector<16xf32> to vector<16xf32>
        %swap3A_622 = vector.shape_cast %mul3A_614 : vector<16xf32> to vector<16xf32>
        tpu.vector_store %arg8[%swap3A_619], %swap3A_622 {strides = array<i32>} : memref<1024xf32, #tpu.memory_space<vmem>>, vector<16xf32>,
        %get3A_623 = arith.index_cast %mul3A_132 : i32 to index
        %get3A_624 = arith.constant 48 : index
        %get3A_625 = tpu.vector_load %arg6[%get3A_623, %get3A_624] {strides = array<i32>} : memref<320x128xf32, #tpu.memory_space<vmem>>, vector<1x16xf32>,
        %get3A_626 = vector.shape_cast %get3A_625 : vector<1x16xf32> to vector<16xf32>
        %add3A_627 = arith.constant 1 : i32
        %add3A_628 = arith.addi %mul3A_132, %add3A_627 : i32
        %get3A_629 = arith.index_cast %add3A_628 : i32 to index
        %get3A_630 = arith.constant 48 : index
        %get3A_631 = tpu.vector_load %arg6[%get3A_629, %get3A_630] {strides = array<i32>} : memref<320x128xf32, #tpu.memory_space<vmem>>, vector<1x16xf32>,
        %get3A_632 = vector.shape_cast %get3A_631 : vector<1x16xf32> to vector<16xf32>
        %add3A_633 = arith.addf %get3A_626, %get3A_632 : vector<16xf32>
        %add3A_634 = arith.constant 2 : i32
        %add3A_635 = arith.addi %mul3A_132, %add3A_634 : i32
        %get3A_636 = arith.index_cast %add3A_635 : i32 to index
        %get3A_637 = arith.constant 48 : index
        %get3A_638 = tpu.vector_load %arg6[%get3A_636, %get3A_637] {strides = array<i32>} : memref<320x128xf32, #tpu.memory_space<vmem>>, vector<1x16xf32>,
        %get3A_639 = vector.shape_cast %get3A_638 : vector<1x16xf32> to vector<16xf32>
        %add3A_640 = arith.constant 3 : i32
        %add3A_641 = arith.addi %mul3A_132, %add3A_640 : i32
        %get3A_642 = arith.index_cast %add3A_641 : i32 to index
        %get3A_643 = arith.constant 48 : index
        %get3A_644 = tpu.vector_load %arg6[%get3A_642, %get3A_643] {strides = array<i32>} : memref<320x128xf32, #tpu.memory_space<vmem>>, vector<1x16xf32>,
        %get3A_645 = vector.shape_cast %get3A_644 : vector<1x16xf32> to vector<16xf32>
        %add3A_646 = arith.addf %get3A_639, %get3A_645 : vector<16xf32>
        %add3A_647 = arith.constant 4 : i32
        %add3A_648 = arith.addi %mul3A_132, %add3A_647 : i32
        %get3A_649 = arith.index_cast %add3A_648 : i32 to index
        %get3A_650 = arith.constant 48 : index
        %get3A_651 = tpu.vector_load %arg6[%get3A_649, %get3A_650] {strides = array<i32>} : memref<320x128xf32, #tpu.memory_space<vmem>>, vector<1x16xf32>,
        %get3A_652 = vector.shape_cast %get3A_651 : vector<1x16xf32> to vector<16xf32>
        %add3A_653 = arith.addf %add3A_633, %get3A_652 : vector<16xf32>
        %add3A_654 = arith.constant 4 : i32
        %add3A_655 = arith.addi %mul3A_132, %add3A_654 : i32
        %add3A_656 = arith.constant 1 : i32
        %add3A_657 = arith.addi %add3A_655, %add3A_656 : i32
        %get3A_658 = arith.index_cast %add3A_657 : i32 to index
        %get3A_659 = arith.constant 48 : index
        %get3A_660 = tpu.vector_load %arg6[%get3A_658, %get3A_659] {strides = array<i32>} : memref<320x128xf32, #tpu.memory_space<vmem>>, vector<1x16xf32>,
        %get3A_661 = vector.shape_cast %get3A_660 : vector<1x16xf32> to vector<16xf32>
        %add3A_662 = arith.addf %add3A_646, %get3A_661 : vector<16xf32>
        %add3A_663 = arith.constant 6 : i32
        %add3A_664 = arith.addi %mul3A_132, %add3A_663 : i32
        %get3A_665 = arith.index_cast %add3A_664 : i32 to index
        %get3A_666 = arith.constant 48 : index
        %get3A_667 = tpu.vector_load %arg6[%get3A_665, %get3A_666] {strides = array<i32>} : memref<320x128xf32, #tpu.memory_space<vmem>>, vector<1x16xf32>,
        %get3A_668 = vector.shape_cast %get3A_667 : vector<1x16xf32> to vector<16xf32>
        %add3A_669 = arith.addf %add3A_653, %get3A_668 : vector<16xf32>
        %add3A_670 = arith.constant 6 : i32
        %add3A_671 = arith.addi %mul3A_132, %add3A_670 : i32
        %add3A_672 = arith.constant 1 : i32
        %add3A_673 = arith.addi %add3A_671, %add3A_672 : i32
        %get3A_674 = arith.index_cast %add3A_673 : i32 to index
        %get3A_675 = arith.constant 48 : index
        %get3A_676 = tpu.vector_load %arg6[%get3A_674, %get3A_675] {strides = array<i32>} : memref<320x128xf32, #tpu.memory_space<vmem>>, vector<1x16xf32>,
        %get3A_677 = vector.shape_cast %get3A_676 : vector<1x16xf32> to vector<16xf32>
        %add3A_678 = arith.addf %add3A_662, %get3A_677 : vector<16xf32>
        %add3A_679 = arith.constant 8 : i32
        %add3A_680 = arith.addi %mul3A_132, %add3A_679 : i32
        %get3A_681 = arith.index_cast %add3A_680 : i32 to index
        %get3A_682 = arith.constant 48 : index
        %get3A_683 = tpu.vector_load %arg6[%get3A_681, %get3A_682] {strides = array<i32>} : memref<320x128xf32, #tpu.memory_space<vmem>>, vector<1x16xf32>,
        %get3A_684 = vector.shape_cast %get3A_683 : vector<1x16xf32> to vector<16xf32>
        %add3A_685 = arith.addf %add3A_669, %get3A_684 : vector<16xf32>
        %add3A_686 = arith.constant 8 : i32
        %add3A_687 = arith.addi %mul3A_132, %add3A_686 : i32
        %add3A_688 = arith.constant 1 : i32
        %add3A_689 = arith.addi %add3A_687, %add3A_688 : i32
        %get3A_690 = arith.index_cast %add3A_689 : i32 to index
        %get3A_691 = arith.constant 48 : index
        %get3A_692 = tpu.vector_load %arg6[%get3A_690, %get3A_691] {strides = array<i32>} : memref<320x128xf32, #tpu.memory_space<vmem>>, vector<1x16xf32>,
        %get3A_693 = vector.shape_cast %get3A_692 : vector<1x16xf32> to vector<16xf32>
        %add3A_694 = arith.addf %add3A_678, %get3A_693 : vector<16xf32>
        %add3A_695 = arith.constant 10 : i32
        %add3A_696 = arith.addi %mul3A_132, %add3A_695 : i32
        %get3A_697 = arith.index_cast %add3A_696 : i32 to index
        %get3A_698 = arith.constant 48 : index
        %get3A_699 = tpu.vector_load %arg6[%get3A_697, %get3A_698] {strides = array<i32>} : memref<320x128xf32, #tpu.memory_space<vmem>>, vector<1x16xf32>,
        %get3A_700 = vector.shape_cast %get3A_699 : vector<1x16xf32> to vector<16xf32>
        %add3A_701 = arith.addf %add3A_685, %get3A_700 : vector<16xf32>
        %add3A_702 = arith.constant 10 : i32
        %add3A_703 = arith.addi %mul3A_132, %add3A_702 : i32
        %add3A_704 = arith.constant 1 : i32
        %add3A_705 = arith.addi %add3A_703, %add3A_704 : i32
        %get3A_706 = arith.index_cast %add3A_705 : i32 to index
        %get3A_707 = arith.constant 48 : index
        %get3A_708 = tpu.vector_load %arg6[%get3A_706, %get3A_707] {strides = array<i32>} : memref<320x128xf32, #tpu.memory_space<vmem>>, vector<1x16xf32>,
        %get3A_709 = vector.shape_cast %get3A_708 : vector<1x16xf32> to vector<16xf32>
        %add3A_710 = arith.addf %add3A_694, %get3A_709 : vector<16xf32>
        %add3A_711 = arith.constant 12 : i32
        %add3A_712 = arith.addi %mul3A_132, %add3A_711 : i32
        %get3A_713 = arith.index_cast %add3A_712 : i32 to index
        %get3A_714 = arith.constant 48 : index
        %get3A_715 = tpu.vector_load %arg6[%get3A_713, %get3A_714] {strides = array<i32>} : memref<320x128xf32, #tpu.memory_space<vmem>>, vector<1x16xf32>,
        %get3A_716 = vector.shape_cast %get3A_715 : vector<1x16xf32> to vector<16xf32>
        %add3A_717 = arith.addf %add3A_701, %get3A_716 : vector<16xf32>
        %add3A_718 = arith.constant 12 : i32
        %add3A_719 = arith.addi %mul3A_132, %add3A_718 : i32
        %add3A_720 = arith.constant 1 : i32
        %add3A_721 = arith.addi %add3A_719, %add3A_720 : i32
        %get3A_722 = arith.index_cast %add3A_721 : i32 to index
        %get3A_723 = arith.constant 48 : index
        %get3A_724 = tpu.vector_load %arg6[%get3A_722, %get3A_723] {strides = array<i32>} : memref<320x128xf32, #tpu.memory_space<vmem>>, vector<1x16xf32>,
        %get3A_725 = vector.shape_cast %get3A_724 : vector<1x16xf32> to vector<16xf32>
        %add3A_726 = arith.addf %add3A_710, %get3A_725 : vector<16xf32>
        %add3A_727 = arith.constant 14 : i32
        %add3A_728 = arith.addi %mul3A_132, %add3A_727 : i32
        %get3A_729 = arith.index_cast %add3A_728 : i32 to index
        %get3A_730 = arith.constant 48 : index
        %get3A_731 = tpu.vector_load %arg6[%get3A_729, %get3A_730] {strides = array<i32>} : memref<320x128xf32, #tpu.memory_space<vmem>>, vector<1x16xf32>,
        %get3A_732 = vector.shape_cast %get3A_731 : vector<1x16xf32> to vector<16xf32>
        %add3A_733 = arith.addf %add3A_717, %get3A_732 : vector<16xf32>
        %add3A_734 = arith.constant 14 : i32
        %add3A_735 = arith.addi %mul3A_132, %add3A_734 : i32
        %add3A_736 = arith.constant 1 : i32
        %add3A_737 = arith.addi %add3A_735, %add3A_736 : i32
        %get3A_738 = arith.index_cast %add3A_737 : i32 to index
        %get3A_739 = arith.constant 48 : index
        %get3A_740 = tpu.vector_load %arg6[%get3A_738, %get3A_739] {strides = array<i32>} : memref<320x128xf32, #tpu.memory_space<vmem>>, vector<1x16xf32>,
        %get3A_741 = vector.shape_cast %get3A_740 : vector<1x16xf32> to vector<16xf32>
        %add3A_742 = arith.addf %add3A_726, %get3A_741 : vector<16xf32>
        %add3A_743 = arith.constant 16 : i32
        %add3A_744 = arith.addi %mul3A_132, %add3A_743 : i32
        %get3A_745 = arith.index_cast %add3A_744 : i32 to index
        %get3A_746 = arith.constant 48 : index
        %get3A_747 = tpu.vector_load %arg6[%get3A_745, %get3A_746] {strides = array<i32>} : memref<320x128xf32, #tpu.memory_space<vmem>>, vector<1x16xf32>,
        %get3A_748 = vector.shape_cast %get3A_747 : vector<1x16xf32> to vector<16xf32>
        %add3A_749 = arith.addf %add3A_733, %get3A_748 : vector<16xf32>
        %add3A_750 = arith.constant 16 : i32
        %add3A_751 = arith.addi %mul3A_132, %add3A_750 : i32
        %add3A_752 = arith.constant 1 : i32
        %add3A_753 = arith.addi %add3A_751, %add3A_752 : i32
        %get3A_754 = arith.index_cast %add3A_753 : i32 to index
        %get3A_755 = arith.constant 48 : index
        %get3A_756 = tpu.vector_load %arg6[%get3A_754, %get3A_755] {strides = array<i32>} : memref<320x128xf32, #tpu.memory_space<vmem>>, vector<1x16xf32>,
        %get3A_757 = vector.shape_cast %get3A_756 : vector<1x16xf32> to vector<16xf32>
        %add3A_758 = arith.addf %add3A_742, %get3A_757 : vector<16xf32>
        %add3A_759 = arith.constant 18 : i32
        %add3A_760 = arith.addi %mul3A_132, %add3A_759 : i32
        %get3A_761 = arith.index_cast %add3A_760 : i32 to index
        %get3A_762 = arith.constant 48 : index
        %get3A_763 = tpu.vector_load %arg6[%get3A_761, %get3A_762] {strides = array<i32>} : memref<320x128xf32, #tpu.memory_space<vmem>>, vector<1x16xf32>,
        %get3A_764 = vector.shape_cast %get3A_763 : vector<1x16xf32> to vector<16xf32>
        %add3A_765 = arith.addf %add3A_749, %get3A_764 : vector<16xf32>
        %add3A_766 = arith.constant 18 : i32
        %add3A_767 = arith.addi %mul3A_132, %add3A_766 : i32
        %add3A_768 = arith.constant 1 : i32
        %add3A_769 = arith.addi %add3A_767, %add3A_768 : i32
        %get3A_770 = arith.index_cast %add3A_769 : i32 to index
        %get3A_771 = arith.constant 48 : index
        %get3A_772 = tpu.vector_load %arg6[%get3A_770, %get3A_771] {strides = array<i32>} : memref<320x128xf32, #tpu.memory_space<vmem>>, vector<1x16xf32>,
        %get3A_773 = vector.shape_cast %get3A_772 : vector<1x16xf32> to vector<16xf32>
        %add3A_774 = arith.addf %add3A_758, %get3A_773 : vector<16xf32>
        %add3A_775 = arith.addf %add3A_765, %add3A_774 : vector<16xf32>
        %mul3A_776 = arith.constant 5.000000e-02 : f32
        %mul3A_777 = vector.broadcast %mul3A_776 : f32 to vector<16xf32>
        %mul3A_778 = arith.mulf %add3A_775, %mul3A_777 : vector<16xf32>
        %mul3A_779 = arith.constant 64 : i32
        %mul3A_780 = arith.muli %add3A_130, %mul3A_779 : i32
        %add3A_781 = arith.constant 48 : i32
        %add3A_782 = arith.addi %mul3A_780, %add3A_781 : i32
        %swap3A_783 = arith.index_cast %add3A_782 : i32 to index
        %swap3A_784 = tpu.vector_load %arg8[%swap3A_783] {strides = array<i32>} : memref<1024xf32, #tpu.memory_space<vmem>>, vector<16xf32>,
        %swap3A_785 = vector.shape_cast %swap3A_784 : vector<16xf32> to vector<16xf32>
        %swap3A_786 = vector.shape_cast %mul3A_778 : vector<16xf32> to vector<16xf32>
        tpu.vector_store %arg8[%swap3A_783], %swap3A_786 {strides = array<i32>} : memref<1024xf32, #tpu.memory_space<vmem>>, vector<16xf32>,
      }
      %scan3A_91 = arith.constant 16 : i32
      %mul3A_92 = arith.constant 1024 : i32
      %mul3A_93 = arith.muli %add3A_43, %mul3A_92 : i32
      %add3A_94 = arith.addi %mul3A_2, %mul3A_93 : i32
      %dma_start3A_95 = tpu.memref_slice %arg4[%add3A_94] : memref<3276800xf32, #tpu.memory_space<hbm>> -> memref<1024xf32, #tpu.memory_space<hbm>>
      %dma_start3A_96 = tpu.memref_slice %arg4[%add3A_94] : memref<3276800xf32, #tpu.memory_space<hbm>> -> memref<1024xf32, #tpu.memory_space<hbm>>
      tpu.enqueue_dma source(%arg8 : memref<1024xf32, #tpu.memory_space<vmem>>) target(%dma_start3A_96 : memref<1024xf32, #tpu.memory_space<hbm>>) target_semaphore(%arg12 : memref<!tpu.dma_semaphore, #tpu.memory_space<semaphore_mem>>)
      %add3A_97 = arith.constant 2 : i32
      %add3A_98 = arith.addi %add3A_43, %add3A_97 : i32
      %lt3A = arith.constant 100 : i32
      %lt3A_99 = arith.cmpi slt, %add3A_98, %lt3A : i32
      %convert_element_type3A_100 = arith.extui %lt3A_99 : i1 to i32
      %cond3A_101 = arith.constant 0 : i32
      %cond3A_102 = arith.cmpi ne, %convert_element_type3A_100, %cond3A_101 : i32
      scf.if %cond3A_102 {
        %add3A_126 = arith.constant 2 : i32
        %add3A_127 = arith.addi %add3A_43, %add3A_126 : i32
        %mul3A_128 = arith.constant 320 : i32
        %mul3A_129 = arith.muli %add3A_127, %mul3A_128 : i32
        %add3A_130 = arith.constant 0 : i32
        %add3A_131 = arith.addi %mul3A_129, %add3A_130 : i32
        %dma_start3A_132 = arith.constant 0 : i32
        %dma_start3A_133 = arith.constant 0 : i32
        %dma_start3A_134 = tpu.memref_slice %arg6[%dma_start3A_132, %dma_start3A_133] : memref<320x128xf32, #tpu.memory_space<vmem>> -> memref<128x128xf32, #tpu.memory_space<vmem>>
        %dma_start3A_135 = tpu.memref_slice %arg5[%add3A_131] : memref<32000xi32, #tpu.memory_space<vmem>> -> memref<128xi32, #tpu.memory_space<vmem>>
        %dma_start3A_136 = arith.constant 0 : i32
        %dma_start3A_137 = arith.constant 0 : i32
        %dma_start3A_138 = tpu.memref_slice %arg2[%dma_start3A_136, %dma_start3A_137] : memref<1000008x128xf32, #tpu.memory_space<hbm>> -> memref<1000008x128xf32, #tpu.memory_space<hbm>>
        tpu.enqueue_indirect_dma source(%dma_start3A_138 : memref<1000008x128xf32, #tpu.memory_space<hbm>>) target(%dma_start3A_134 : memref<128x128xf32, #tpu.memory_space<vmem>>) offsets(%dma_start3A_135 : memref<128xi32, #tpu.memory_space<vmem>>) semaphore(%arg10 : memref<!tpu.dma_semaphore, #tpu.memory_space<semaphore_mem>>)
        %mul3A_139 = arith.constant 320 : i32
        %mul3A_140 = arith.muli %add3A_127, %mul3A_139 : i32
        %add3A_141 = arith.constant 128 : i32
        %add3A_142 = arith.addi %mul3A_140, %add3A_141 : i32
        %dma_start3A_143 = arith.constant 128 : i32
        %dma_start3A_144 = arith.constant 0 : i32
        %dma_start3A_145 = tpu.memref_slice %arg6[%dma_start3A_143, %dma_start3A_144] : memref<320x128xf32, #tpu.memory_space<vmem>> -> memref<128x128xf32, #tpu.memory_space<vmem>>
        %dma_start3A_146 = tpu.memref_slice %arg5[%add3A_142] : memref<32000xi32, #tpu.memory_space<vmem>> -> memref<128xi32, #tpu.memory_space<vmem>>
        %dma_start3A_147 = arith.constant 0 : i32
        %dma_start3A_148 = arith.constant 0 : i32
        %dma_start3A_149 = tpu.memref_slice %arg2[%dma_start3A_147, %dma_start3A_148] : memref<1000008x128xf32, #tpu.memory_space<hbm>> -> memref<1000008x128xf32, #tpu.memory_space<hbm>>
        tpu.enqueue_indirect_dma source(%dma_start3A_149 : memref<1000008x128xf32, #tpu.memory_space<hbm>>) target(%dma_start3A_145 : memref<128x128xf32, #tpu.memory_space<vmem>>) offsets(%dma_start3A_146 : memref<128xi32, #tpu.memory_space<vmem>>) semaphore(%arg10 : memref<!tpu.dma_semaphore, #tpu.memory_space<semaphore_mem>>)
        %mul3A_150 = arith.constant 320 : i32
        %mul3A_151 = arith.muli %add3A_127, %mul3A_150 : i32
        %add3A_152 = arith.constant 256 : i32
        %add3A_153 = arith.addi %mul3A_151, %add3A_152 : i32
        %dma_start3A_154 = arith.constant 256 : i32
        %dma_start3A_155 = arith.constant 0 : i32
        %dma_start3A_156 = tpu.memref_slice %arg6[%dma_start3A_154, %dma_start3A_155] : memref<320x128xf32, #tpu.memory_space<vmem>> -> memref<64x128xf32, #tpu.memory_space<vmem>>
        %dma_start3A_157 = tpu.memref_slice %arg5[%add3A_153] : memref<32000xi32, #tpu.memory_space<vmem>> -> memref<64xi32, #tpu.memory_space<vmem>>
        %dma_start3A_158 = arith.constant 0 : i32
        %dma_start3A_159 = arith.constant 0 : i32
        %dma_start3A_160 = tpu.memref_slice %arg2[%dma_start3A_158, %dma_start3A_159] : memref<1000008x128xf32, #tpu.memory_space<hbm>> -> memref<1000008x128xf32, #tpu.memory_space<hbm>>
        tpu.enqueue_indirect_dma source(%dma_start3A_160 : memref<1000008x128xf32, #tpu.memory_space<hbm>>) target(%dma_start3A_156 : memref<64x128xf32, #tpu.memory_space<vmem>>) offsets(%dma_start3A_157 : memref<64xi32, #tpu.memory_space<vmem>>) semaphore(%arg10 : memref<!tpu.dma_semaphore, #tpu.memory_space<semaphore_mem>>)
      } else {
      }
      %dma_wait3A_103 = arith.constant 0 : i32
      %dma_wait3A_104 = arith.constant 0 : i32
      %dma_wait3A_105 = tpu.memref_slice %arg2[%dma_wait3A_103, %dma_wait3A_104] : memref<1000008x128xf32, #tpu.memory_space<hbm>> -> memref<320x128xf32, #tpu.memory_space<hbm>>
      %dma_wait3A_106 = arith.constant 0 : i32
      %dma_wait3A_107 = arith.constant 0 : i32
      %dma_wait3A_108 = tpu.memref_slice %arg2[%dma_wait3A_106, %dma_wait3A_107] : memref<1000008x128xf32, #tpu.memory_space<hbm>> -> memref<320x128xf32, #tpu.memory_space<hbm>>
      tpu.wait_dma2 semaphore(%arg11 : memref<!tpu.dma_semaphore, #tpu.memory_space<semaphore_mem>>) src(%dma_wait3A_108 : memref<320x128xf32, #tpu.memory_space<hbm>>) dst(%arg7 : memref<320x128xf32, #tpu.memory_space<vmem>>)
      %add3A_109 = arith.constant 1 : i32
      %add3A_110 = arith.addi %add3A_43, %add3A_109 : i32
      %ge3A_111 = arith.constant 2 : i32
      %ge3A_112 = arith.cmpi sge, %add3A_110, %ge3A_111 : i32
      %convert_element_type3A_113 = arith.extui %ge3A_112 : i1 to i32
      %cond3A_114 = arith.constant 0 : i32
      %cond3A_115 = arith.cmpi ne, %convert_element_type3A_113, %cond3A_114 : i32
      scf.if %cond3A_115 {
        %dma_wait3A_126 = arith.constant 0 : i32
        %dma_wait3A_127 = tpu.memref_slice %arg4[%dma_wait3A_126] : memref<3276800xf32, #tpu.memory_space<hbm>> -> memref<1024xf32, #tpu.memory_space<hbm>>
        %dma_wait3A_128 = arith.constant 0 : i32
        %dma_wait3A_129 = tpu.memref_slice %arg4[%dma_wait3A_128] : memref<3276800xf32, #tpu.memory_space<hbm>> -> memref<1024xf32, #tpu.memory_space<hbm>>
        tpu.wait_dma2 semaphore(%arg12 : memref<!tpu.dma_semaphore, #tpu.memory_space<semaphore_mem>>) src(%dma_wait3A_129 : memref<1024xf32, #tpu.memory_space<hbm>>) dst(%arg9 : memref<1024xf32, #tpu.memory_space<vmem>>)
      } else {
      }
      %scan3A_116 = arith.constant 0 : i32
      %scan3A_117 = arith.constant 16 : i32
      %scan3A_118 = arith.addi %scan3A_116, %scan3A_117 : i32
      %scan3A_119 = arith.constant 1 : i32
      scf.for %scan3A_126 = %scan3A_116 to %scan3A_118 step %scan3A_119  : i32 {
        %mul3A_127 = arith.constant 1 : i32
        %mul3A_128 = arith.muli %scan3A_126, %mul3A_127 : i32
        %add3A_129 = arith.constant 0 : i32
        %add3A_130 = arith.addi %add3A_129, %mul3A_128 : i32
        %mul3A_131 = arith.constant 20 : i32
        %mul3A_132 = arith.muli %add3A_130, %mul3A_131 : i32
        %get3A = arith.index_cast %mul3A_132 : i32 to index
        %get3A_133 = arith.constant 0 : index
        %get3A_134 = tpu.vector_load %arg7[%get3A, %get3A_133] {strides = array<i32>} : memref<320x128xf32, #tpu.memory_space<vmem>>, vector<1x16xf32>,
        %get3A_135 = vector.shape_cast %get3A_134 : vector<1x16xf32> to vector<16xf32>
        %add3A_136 = arith.constant 1 : i32
        %add3A_137 = arith.addi %mul3A_132, %add3A_136 : i32
        %get3A_138 = arith.index_cast %add3A_137 : i32 to index
        %get3A_139 = arith.constant 0 : index
        %get3A_140 = tpu.vector_load %arg7[%get3A_138, %get3A_139] {strides = array<i32>} : memref<320x128xf32, #tpu.memory_space<vmem>>, vector<1x16xf32>,
        %get3A_141 = vector.shape_cast %get3A_140 : vector<1x16xf32> to vector<16xf32>
        %add3A_142 = arith.addf %get3A_135, %get3A_141 : vector<16xf32>
        %add3A_143 = arith.constant 2 : i32
        %add3A_144 = arith.addi %mul3A_132, %add3A_143 : i32
        %get3A_145 = arith.index_cast %add3A_144 : i32 to index
        %get3A_146 = arith.constant 0 : index
        %get3A_147 = tpu.vector_load %arg7[%get3A_145, %get3A_146] {strides = array<i32>} : memref<320x128xf32, #tpu.memory_space<vmem>>, vector<1x16xf32>,
        %get3A_148 = vector.shape_cast %get3A_147 : vector<1x16xf32> to vector<16xf32>
        %add3A_149 = arith.constant 3 : i32
        %add3A_150 = arith.addi %mul3A_132, %add3A_149 : i32
        %get3A_151 = arith.index_cast %add3A_150 : i32 to index
        %get3A_152 = arith.constant 0 : index
        %get3A_153 = tpu.vector_load %arg7[%get3A_151, %get3A_152] {strides = array<i32>} : memref<320x128xf32, #tpu.memory_space<vmem>>, vector<1x16xf32>,
        %get3A_154 = vector.shape_cast %get3A_153 : vector<1x16xf32> to vector<16xf32>
        %add3A_155 = arith.addf %get3A_148, %get3A_154 : vector<16xf32>
        %add3A_156 = arith.constant 4 : i32
        %add3A_157 = arith.addi %mul3A_132, %add3A_156 : i32
        %get3A_158 = arith.index_cast %add3A_157 : i32 to index
        %get3A_159 = arith.constant 0 : index
        %get3A_160 = tpu.vector_load %arg7[%get3A_158, %get3A_159] {strides = array<i32>} : memref<320x128xf32, #tpu.memory_space<vmem>>, vector<1x16xf32>,
        %get3A_161 = vector.shape_cast %get3A_160 : vector<1x16xf32> to vector<16xf32>
        %add3A_162 = arith.addf %add3A_142, %get3A_161 : vector<16xf32>
        %add3A_163 = arith.constant 4 : i32
        %add3A_164 = arith.addi %mul3A_132, %add3A_163 : i32
        %add3A_165 = arith.constant 1 : i32
        %add3A_166 = arith.addi %add3A_164, %add3A_165 : i32
        %get3A_167 = arith.index_cast %add3A_166 : i32 to index
        %get3A_168 = arith.constant 0 : index
        %get3A_169 = tpu.vector_load %arg7[%get3A_167, %get3A_168] {strides = array<i32>} : memref<320x128xf32, #tpu.memory_space<vmem>>, vector<1x16xf32>,
        %get3A_170 = vector.shape_cast %get3A_169 : vector<1x16xf32> to vector<16xf32>
        %add3A_171 = arith.addf %add3A_155, %get3A_170 : vector<16xf32>
        %add3A_172 = arith.constant 6 : i32
        %add3A_173 = arith.addi %mul3A_132, %add3A_172 : i32
        %get3A_174 = arith.index_cast %add3A_173 : i32 to index
        %get3A_175 = arith.constant 0 : index
        %get3A_176 = tpu.vector_load %arg7[%get3A_174, %get3A_175] {strides = array<i32>} : memref<320x128xf32, #tpu.memory_space<vmem>>, vector<1x16xf32>,
        %get3A_177 = vector.shape_cast %get3A_176 : vector<1x16xf32> to vector<16xf32>
        %add3A_178 = arith.addf %add3A_162, %get3A_177 : vector<16xf32>
        %add3A_179 = arith.constant 6 : i32
        %add3A_180 = arith.addi %mul3A_132, %add3A_179 : i32
        %add3A_181 = arith.constant 1 : i32
        %add3A_182 = arith.addi %add3A_180, %add3A_181 : i32
        %get3A_183 = arith.index_cast %add3A_182 : i32 to index
        %get3A_184 = arith.constant 0 : index
        %get3A_185 = tpu.vector_load %arg7[%get3A_183, %get3A_184] {strides = array<i32>} : memref<320x128xf32, #tpu.memory_space<vmem>>, vector<1x16xf32>,
        %get3A_186 = vector.shape_cast %get3A_185 : vector<1x16xf32> to vector<16xf32>
        %add3A_187 = arith.addf %add3A_171, %get3A_186 : vector<16xf32>
        %add3A_188 = arith.constant 8 : i32
        %add3A_189 = arith.addi %mul3A_132, %add3A_188 : i32
        %get3A_190 = arith.index_cast %add3A_189 : i32 to index
        %get3A_191 = arith.constant 0 : index
        %get3A_192 = tpu.vector_load %arg7[%get3A_190, %get3A_191] {strides = array<i32>} : memref<320x128xf32, #tpu.memory_space<vmem>>, vector<1x16xf32>,
        %get3A_193 = vector.shape_cast %get3A_192 : vector<1x16xf32> to vector<16xf32>
        %add3A_194 = arith.addf %add3A_178, %get3A_193 : vector<16xf32>
        %add3A_195 = arith.constant 8 : i32
        %add3A_196 = arith.addi %mul3A_132, %add3A_195 : i32
        %add3A_197 = arith.constant 1 : i32
        %add3A_198 = arith.addi %add3A_196, %add3A_197 : i32
        %get3A_199 = arith.index_cast %add3A_198 : i32 to index
        %get3A_200 = arith.constant 0 : index
        %get3A_201 = tpu.vector_load %arg7[%get3A_199, %get3A_200] {strides = array<i32>} : memref<320x128xf32, #tpu.memory_space<vmem>>, vector<1x16xf32>,
        %get3A_202 = vector.shape_cast %get3A_201 : vector<1x16xf32> to vector<16xf32>
        %add3A_203 = arith.addf %add3A_187, %get3A_202 : vector<16xf32>
        %add3A_204 = arith.constant 10 : i32
        %add3A_205 = arith.addi %mul3A_132, %add3A_204 : i32
        %get3A_206 = arith.index_cast %add3A_205 : i32 to index
        %get3A_207 = arith.constant 0 : index
        %get3A_208 = tpu.vector_load %arg7[%get3A_206, %get3A_207] {strides = array<i32>} : memref<320x128xf32, #tpu.memory_space<vmem>>, vector<1x16xf32>,
        %get3A_209 = vector.shape_cast %get3A_208 : vector<1x16xf32> to vector<16xf32>
        %add3A_210 = arith.addf %add3A_194, %get3A_209 : vector<16xf32>
        %add3A_211 = arith.constant 10 : i32
        %add3A_212 = arith.addi %mul3A_132, %add3A_211 : i32
        %add3A_213 = arith.constant 1 : i32
        %add3A_214 = arith.addi %add3A_212, %add3A_213 : i32
        %get3A_215 = arith.index_cast %add3A_214 : i32 to index
        %get3A_216 = arith.constant 0 : index
        %get3A_217 = tpu.vector_load %arg7[%get3A_215, %get3A_216] {strides = array<i32>} : memref<320x128xf32, #tpu.memory_space<vmem>>, vector<1x16xf32>,
        %get3A_218 = vector.shape_cast %get3A_217 : vector<1x16xf32> to vector<16xf32>
        %add3A_219 = arith.addf %add3A_203, %get3A_218 : vector<16xf32>
        %add3A_220 = arith.constant 12 : i32
        %add3A_221 = arith.addi %mul3A_132, %add3A_220 : i32
        %get3A_222 = arith.index_cast %add3A_221 : i32 to index
        %get3A_223 = arith.constant 0 : index
        %get3A_224 = tpu.vector_load %arg7[%get3A_222, %get3A_223] {strides = array<i32>} : memref<320x128xf32, #tpu.memory_space<vmem>>, vector<1x16xf32>,
        %get3A_225 = vector.shape_cast %get3A_224 : vector<1x16xf32> to vector<16xf32>
        %add3A_226 = arith.addf %add3A_210, %get3A_225 : vector<16xf32>
        %add3A_227 = arith.constant 12 : i32
        %add3A_228 = arith.addi %mul3A_132, %add3A_227 : i32
        %add3A_229 = arith.constant 1 : i32
        %add3A_230 = arith.addi %add3A_228, %add3A_229 : i32
        %get3A_231 = arith.index_cast %add3A_230 : i32 to index
        %get3A_232 = arith.constant 0 : index
        %get3A_233 = tpu.vector_load %arg7[%get3A_231, %get3A_232] {strides = array<i32>} : memref<320x128xf32, #tpu.memory_space<vmem>>, vector<1x16xf32>,
        %get3A_234 = vector.shape_cast %get3A_233 : vector<1x16xf32> to vector<16xf32>
        %add3A_235 = arith.addf %add3A_219, %get3A_234 : vector<16xf32>
        %add3A_236 = arith.constant 14 : i32
        %add3A_237 = arith.addi %mul3A_132, %add3A_236 : i32
        %get3A_238 = arith.index_cast %add3A_237 : i32 to index
        %get3A_239 = arith.constant 0 : index
        %get3A_240 = tpu.vector_load %arg7[%get3A_238, %get3A_239] {strides = array<i32>} : memref<320x128xf32, #tpu.memory_space<vmem>>, vector<1x16xf32>,
        %get3A_241 = vector.shape_cast %get3A_240 : vector<1x16xf32> to vector<16xf32>
        %add3A_242 = arith.addf %add3A_226, %get3A_241 : vector<16xf32>
        %add3A_243 = arith.constant 14 : i32
        %add3A_244 = arith.addi %mul3A_132, %add3A_243 : i32
        %add3A_245 = arith.constant 1 : i32
        %add3A_246 = arith.addi %add3A_244, %add3A_245 : i32
        %get3A_247 = arith.index_cast %add3A_246 : i32 to index
        %get3A_248 = arith.constant 0 : index
        %get3A_249 = tpu.vector_load %arg7[%get3A_247, %get3A_248] {strides = array<i32>} : memref<320x128xf32, #tpu.memory_space<vmem>>, vector<1x16xf32>,
        %get3A_250 = vector.shape_cast %get3A_249 : vector<1x16xf32> to vector<16xf32>
        %add3A_251 = arith.addf %add3A_235, %get3A_250 : vector<16xf32>
        %add3A_252 = arith.constant 16 : i32
        %add3A_253 = arith.addi %mul3A_132, %add3A_252 : i32
        %get3A_254 = arith.index_cast %add3A_253 : i32 to index
        %get3A_255 = arith.constant 0 : index
        %get3A_256 = tpu.vector_load %arg7[%get3A_254, %get3A_255] {strides = array<i32>} : memref<320x128xf32, #tpu.memory_space<vmem>>, vector<1x16xf32>,
        %get3A_257 = vector.shape_cast %get3A_256 : vector<1x16xf32> to vector<16xf32>
        %add3A_258 = arith.addf %add3A_242, %get3A_257 : vector<16xf32>
        %add3A_259 = arith.constant 16 : i32
        %add3A_260 = arith.addi %mul3A_132, %add3A_259 : i32
        %add3A_261 = arith.constant 1 : i32
        %add3A_262 = arith.addi %add3A_260, %add3A_261 : i32
        %get3A_263 = arith.index_cast %add3A_262 : i32 to index
        %get3A_264 = arith.constant 0 : index
        %get3A_265 = tpu.vector_load %arg7[%get3A_263, %get3A_264] {strides = array<i32>} : memref<320x128xf32, #tpu.memory_space<vmem>>, vector<1x16xf32>,
        %get3A_266 = vector.shape_cast %get3A_265 : vector<1x16xf32> to vector<16xf32>
        %add3A_267 = arith.addf %add3A_251, %get3A_266 : vector<16xf32>
        %add3A_268 = arith.constant 18 : i32
        %add3A_269 = arith.addi %mul3A_132, %add3A_268 : i32
        %get3A_270 = arith.index_cast %add3A_269 : i32 to index
        %get3A_271 = arith.constant 0 : index
        %get3A_272 = tpu.vector_load %arg7[%get3A_270, %get3A_271] {strides = array<i32>} : memref<320x128xf32, #tpu.memory_space<vmem>>, vector<1x16xf32>,
        %get3A_273 = vector.shape_cast %get3A_272 : vector<1x16xf32> to vector<16xf32>
        %add3A_274 = arith.addf %add3A_258, %get3A_273 : vector<16xf32>
        %add3A_275 = arith.constant 18 : i32
        %add3A_276 = arith.addi %mul3A_132, %add3A_275 : i32
        %add3A_277 = arith.constant 1 : i32
        %add3A_278 = arith.addi %add3A_276, %add3A_277 : i32
        %get3A_279 = arith.index_cast %add3A_278 : i32 to index
        %get3A_280 = arith.constant 0 : index
        %get3A_281 = tpu.vector_load %arg7[%get3A_279, %get3A_280] {strides = array<i32>} : memref<320x128xf32, #tpu.memory_space<vmem>>, vector<1x16xf32>,
        %get3A_282 = vector.shape_cast %get3A_281 : vector<1x16xf32> to vector<16xf32>
        %add3A_283 = arith.addf %add3A_267, %get3A_282 : vector<16xf32>
        %add3A_284 = arith.addf %add3A_274, %add3A_283 : vector<16xf32>
        %mul3A_285 = arith.constant 5.000000e-02 : f32
        %mul3A_286 = vector.broadcast %mul3A_285 : f32 to vector<16xf32>
        %mul3A_287 = arith.mulf %add3A_284, %mul3A_286 : vector<16xf32>
        %mul3A_288 = arith.constant 64 : i32
        %mul3A_289 = arith.muli %add3A_130, %mul3A_288 : i32
        %add3A_290 = arith.constant 0 : i32
        %add3A_291 = arith.addi %mul3A_289, %add3A_290 : i32
        %swap3A = arith.index_cast %add3A_291 : i32 to index
        %swap3A_292 = tpu.vector_load %arg9[%swap3A] {strides = array<i32>} : memref<1024xf32, #tpu.memory_space<vmem>>, vector<16xf32>,
        %swap3A_293 = vector.shape_cast %swap3A_292 : vector<16xf32> to vector<16xf32>
        %swap3A_294 = vector.shape_cast %mul3A_287 : vector<16xf32> to vector<16xf32>
        tpu.vector_store %arg9[%swap3A], %swap3A_294 {strides = array<i32>} : memref<1024xf32, #tpu.memory_space<vmem>>, vector<16xf32>,
        %get3A_295 = arith.index_cast %mul3A_132 : i32 to index
        %get3A_296 = arith.constant 16 : index
        %get3A_297 = tpu.vector_load %arg7[%get3A_295, %get3A_296] {strides = array<i32>} : memref<320x128xf32, #tpu.memory_space<vmem>>, vector<1x16xf32>,
        %get3A_298 = vector.shape_cast %get3A_297 : vector<1x16xf32> to vector<16xf32>
        %add3A_299 = arith.constant 1 : i32
        %add3A_300 = arith.addi %mul3A_132, %add3A_299 : i32
        %get3A_301 = arith.index_cast %add3A_300 : i32 to index
        %get3A_302 = arith.constant 16 : index
        %get3A_303 = tpu.vector_load %arg7[%get3A_301, %get3A_302] {strides = array<i32>} : memref<320x128xf32, #tpu.memory_space<vmem>>, vector<1x16xf32>,
        %get3A_304 = vector.shape_cast %get3A_303 : vector<1x16xf32> to vector<16xf32>
        %add3A_305 = arith.addf %get3A_298, %get3A_304 : vector<16xf32>
        %add3A_306 = arith.constant 2 : i32
        %add3A_307 = arith.addi %mul3A_132, %add3A_306 : i32
        %get3A_308 = arith.index_cast %add3A_307 : i32 to index
        %get3A_309 = arith.constant 16 : index
        %get3A_310 = tpu.vector_load %arg7[%get3A_308, %get3A_309] {strides = array<i32>} : memref<320x128xf32, #tpu.memory_space<vmem>>, vector<1x16xf32>,
        %get3A_311 = vector.shape_cast %get3A_310 : vector<1x16xf32> to vector<16xf32>
        %add3A_312 = arith.constant 3 : i32
        %add3A_313 = arith.addi %mul3A_132, %add3A_312 : i32
        %get3A_314 = arith.index_cast %add3A_313 : i32 to index
        %get3A_315 = arith.constant 16 : index
        %get3A_316 = tpu.vector_load %arg7[%get3A_314, %get3A_315] {strides = array<i32>} : memref<320x128xf32, #tpu.memory_space<vmem>>, vector<1x16xf32>,
        %get3A_317 = vector.shape_cast %get3A_316 : vector<1x16xf32> to vector<16xf32>
        %add3A_318 = arith.addf %get3A_311, %get3A_317 : vector<16xf32>
        %add3A_319 = arith.constant 4 : i32
        %add3A_320 = arith.addi %mul3A_132, %add3A_319 : i32
        %get3A_321 = arith.index_cast %add3A_320 : i32 to index
        %get3A_322 = arith.constant 16 : index
        %get3A_323 = tpu.vector_load %arg7[%get3A_321, %get3A_322] {strides = array<i32>} : memref<320x128xf32, #tpu.memory_space<vmem>>, vector<1x16xf32>,
        %get3A_324 = vector.shape_cast %get3A_323 : vector<1x16xf32> to vector<16xf32>
        %add3A_325 = arith.addf %add3A_305, %get3A_324 : vector<16xf32>
        %add3A_326 = arith.constant 4 : i32
        %add3A_327 = arith.addi %mul3A_132, %add3A_326 : i32
        %add3A_328 = arith.constant 1 : i32
        %add3A_329 = arith.addi %add3A_327, %add3A_328 : i32
        %get3A_330 = arith.index_cast %add3A_329 : i32 to index
        %get3A_331 = arith.constant 16 : index
        %get3A_332 = tpu.vector_load %arg7[%get3A_330, %get3A_331] {strides = array<i32>} : memref<320x128xf32, #tpu.memory_space<vmem>>, vector<1x16xf32>,
        %get3A_333 = vector.shape_cast %get3A_332 : vector<1x16xf32> to vector<16xf32>
        %add3A_334 = arith.addf %add3A_318, %get3A_333 : vector<16xf32>
        %add3A_335 = arith.constant 6 : i32
        %add3A_336 = arith.addi %mul3A_132, %add3A_335 : i32
        %get3A_337 = arith.index_cast %add3A_336 : i32 to index
        %get3A_338 = arith.constant 16 : index
        %get3A_339 = tpu.vector_load %arg7[%get3A_337, %get3A_338] {strides = array<i32>} : memref<320x128xf32, #tpu.memory_space<vmem>>, vector<1x16xf32>,
        %get3A_340 = vector.shape_cast %get3A_339 : vector<1x16xf32> to vector<16xf32>
        %add3A_341 = arith.addf %add3A_325, %get3A_340 : vector<16xf32>
        %add3A_342 = arith.constant 6 : i32
        %add3A_343 = arith.addi %mul3A_132, %add3A_342 : i32
        %add3A_344 = arith.constant 1 : i32
        %add3A_345 = arith.addi %add3A_343, %add3A_344 : i32
        %get3A_346 = arith.index_cast %add3A_345 : i32 to index
        %get3A_347 = arith.constant 16 : index
        %get3A_348 = tpu.vector_load %arg7[%get3A_346, %get3A_347] {strides = array<i32>} : memref<320x128xf32, #tpu.memory_space<vmem>>, vector<1x16xf32>,
        %get3A_349 = vector.shape_cast %get3A_348 : vector<1x16xf32> to vector<16xf32>
        %add3A_350 = arith.addf %add3A_334, %get3A_349 : vector<16xf32>
        %add3A_351 = arith.constant 8 : i32
        %add3A_352 = arith.addi %mul3A_132, %add3A_351 : i32
        %get3A_353 = arith.index_cast %add3A_352 : i32 to index
        %get3A_354 = arith.constant 16 : index
        %get3A_355 = tpu.vector_load %arg7[%get3A_353, %get3A_354] {strides = array<i32>} : memref<320x128xf32, #tpu.memory_space<vmem>>, vector<1x16xf32>,
        %get3A_356 = vector.shape_cast %get3A_355 : vector<1x16xf32> to vector<16xf32>
        %add3A_357 = arith.addf %add3A_341, %get3A_356 : vector<16xf32>
        %add3A_358 = arith.constant 8 : i32
        %add3A_359 = arith.addi %mul3A_132, %add3A_358 : i32
        %add3A_360 = arith.constant 1 : i32
        %add3A_361 = arith.addi %add3A_359, %add3A_360 : i32
        %get3A_362 = arith.index_cast %add3A_361 : i32 to index
        %get3A_363 = arith.constant 16 : index
        %get3A_364 = tpu.vector_load %arg7[%get3A_362, %get3A_363] {strides = array<i32>} : memref<320x128xf32, #tpu.memory_space<vmem>>, vector<1x16xf32>,
        %get3A_365 = vector.shape_cast %get3A_364 : vector<1x16xf32> to vector<16xf32>
        %add3A_366 = arith.addf %add3A_350, %get3A_365 : vector<16xf32>
        %add3A_367 = arith.constant 10 : i32
        %add3A_368 = arith.addi %mul3A_132, %add3A_367 : i32
        %get3A_369 = arith.index_cast %add3A_368 : i32 to index
        %get3A_370 = arith.constant 16 : index
        %get3A_371 = tpu.vector_load %arg7[%get3A_369, %get3A_370] {strides = array<i32>} : memref<320x128xf32, #tpu.memory_space<vmem>>, vector<1x16xf32>,
        %get3A_372 = vector.shape_cast %get3A_371 : vector<1x16xf32> to vector<16xf32>
        %add3A_373 = arith.addf %add3A_357, %get3A_372 : vector<16xf32>
        %add3A_374 = arith.constant 10 : i32
        %add3A_375 = arith.addi %mul3A_132, %add3A_374 : i32
        %add3A_376 = arith.constant 1 : i32
        %add3A_377 = arith.addi %add3A_375, %add3A_376 : i32
        %get3A_378 = arith.index_cast %add3A_377 : i32 to index
        %get3A_379 = arith.constant 16 : index
        %get3A_380 = tpu.vector_load %arg7[%get3A_378, %get3A_379] {strides = array<i32>} : memref<320x128xf32, #tpu.memory_space<vmem>>, vector<1x16xf32>,
        %get3A_381 = vector.shape_cast %get3A_380 : vector<1x16xf32> to vector<16xf32>
        %add3A_382 = arith.addf %add3A_366, %get3A_381 : vector<16xf32>
        %add3A_383 = arith.constant 12 : i32
        %add3A_384 = arith.addi %mul3A_132, %add3A_383 : i32
        %get3A_385 = arith.index_cast %add3A_384 : i32 to index
        %get3A_386 = arith.constant 16 : index
        %get3A_387 = tpu.vector_load %arg7[%get3A_385, %get3A_386] {strides = array<i32>} : memref<320x128xf32, #tpu.memory_space<vmem>>, vector<1x16xf32>,
        %get3A_388 = vector.shape_cast %get3A_387 : vector<1x16xf32> to vector<16xf32>
        %add3A_389 = arith.addf %add3A_373, %get3A_388 : vector<16xf32>
        %add3A_390 = arith.constant 12 : i32
        %add3A_391 = arith.addi %mul3A_132, %add3A_390 : i32
        %add3A_392 = arith.constant 1 : i32
        %add3A_393 = arith.addi %add3A_391, %add3A_392 : i32
        %get3A_394 = arith.index_cast %add3A_393 : i32 to index
        %get3A_395 = arith.constant 16 : index
        %get3A_396 = tpu.vector_load %arg7[%get3A_394, %get3A_395] {strides = array<i32>} : memref<320x128xf32, #tpu.memory_space<vmem>>, vector<1x16xf32>,
        %get3A_397 = vector.shape_cast %get3A_396 : vector<1x16xf32> to vector<16xf32>
        %add3A_398 = arith.addf %add3A_382, %get3A_397 : vector<16xf32>
        %add3A_399 = arith.constant 14 : i32
        %add3A_400 = arith.addi %mul3A_132, %add3A_399 : i32
        %get3A_401 = arith.index_cast %add3A_400 : i32 to index
        %get3A_402 = arith.constant 16 : index
        %get3A_403 = tpu.vector_load %arg7[%get3A_401, %get3A_402] {strides = array<i32>} : memref<320x128xf32, #tpu.memory_space<vmem>>, vector<1x16xf32>,
        %get3A_404 = vector.shape_cast %get3A_403 : vector<1x16xf32> to vector<16xf32>
        %add3A_405 = arith.addf %add3A_389, %get3A_404 : vector<16xf32>
        %add3A_406 = arith.constant 14 : i32
        %add3A_407 = arith.addi %mul3A_132, %add3A_406 : i32
        %add3A_408 = arith.constant 1 : i32
        %add3A_409 = arith.addi %add3A_407, %add3A_408 : i32
        %get3A_410 = arith.index_cast %add3A_409 : i32 to index
        %get3A_411 = arith.constant 16 : index
        %get3A_412 = tpu.vector_load %arg7[%get3A_410, %get3A_411] {strides = array<i32>} : memref<320x128xf32, #tpu.memory_space<vmem>>, vector<1x16xf32>,
        %get3A_413 = vector.shape_cast %get3A_412 : vector<1x16xf32> to vector<16xf32>
        %add3A_414 = arith.addf %add3A_398, %get3A_413 : vector<16xf32>
        %add3A_415 = arith.constant 16 : i32
        %add3A_416 = arith.addi %mul3A_132, %add3A_415 : i32
        %get3A_417 = arith.index_cast %add3A_416 : i32 to index
        %get3A_418 = arith.constant 16 : index
        %get3A_419 = tpu.vector_load %arg7[%get3A_417, %get3A_418] {strides = array<i32>} : memref<320x128xf32, #tpu.memory_space<vmem>>, vector<1x16xf32>,
        %get3A_420 = vector.shape_cast %get3A_419 : vector<1x16xf32> to vector<16xf32>
        %add3A_421 = arith.addf %add3A_405, %get3A_420 : vector<16xf32>
        %add3A_422 = arith.constant 16 : i32
        %add3A_423 = arith.addi %mul3A_132, %add3A_422 : i32
        %add3A_424 = arith.constant 1 : i32
        %add3A_425 = arith.addi %add3A_423, %add3A_424 : i32
        %get3A_426 = arith.index_cast %add3A_425 : i32 to index
        %get3A_427 = arith.constant 16 : index
        %get3A_428 = tpu.vector_load %arg7[%get3A_426, %get3A_427] {strides = array<i32>} : memref<320x128xf32, #tpu.memory_space<vmem>>, vector<1x16xf32>,
        %get3A_429 = vector.shape_cast %get3A_428 : vector<1x16xf32> to vector<16xf32>
        %add3A_430 = arith.addf %add3A_414, %get3A_429 : vector<16xf32>
        %add3A_431 = arith.constant 18 : i32
        %add3A_432 = arith.addi %mul3A_132, %add3A_431 : i32
        %get3A_433 = arith.index_cast %add3A_432 : i32 to index
        %get3A_434 = arith.constant 16 : index
        %get3A_435 = tpu.vector_load %arg7[%get3A_433, %get3A_434] {strides = array<i32>} : memref<320x128xf32, #tpu.memory_space<vmem>>, vector<1x16xf32>,
        %get3A_436 = vector.shape_cast %get3A_435 : vector<1x16xf32> to vector<16xf32>
        %add3A_437 = arith.addf %add3A_421, %get3A_436 : vector<16xf32>
        %add3A_438 = arith.constant 18 : i32
        %add3A_439 = arith.addi %mul3A_132, %add3A_438 : i32
        %add3A_440 = arith.constant 1 : i32
        %add3A_441 = arith.addi %add3A_439, %add3A_440 : i32
        %get3A_442 = arith.index_cast %add3A_441 : i32 to index
        %get3A_443 = arith.constant 16 : index
        %get3A_444 = tpu.vector_load %arg7[%get3A_442, %get3A_443] {strides = array<i32>} : memref<320x128xf32, #tpu.memory_space<vmem>>, vector<1x16xf32>,
        %get3A_445 = vector.shape_cast %get3A_444 : vector<1x16xf32> to vector<16xf32>
        %add3A_446 = arith.addf %add3A_430, %get3A_445 : vector<16xf32>
        %add3A_447 = arith.addf %add3A_437, %add3A_446 : vector<16xf32>
        %mul3A_448 = arith.constant 5.000000e-02 : f32
        %mul3A_449 = vector.broadcast %mul3A_448 : f32 to vector<16xf32>
        %mul3A_450 = arith.mulf %add3A_447, %mul3A_449 : vector<16xf32>
        %mul3A_451 = arith.constant 64 : i32
        %mul3A_452 = arith.muli %add3A_130, %mul3A_451 : i32
        %add3A_453 = arith.constant 16 : i32
        %add3A_454 = arith.addi %mul3A_452, %add3A_453 : i32
        %swap3A_455 = arith.index_cast %add3A_454 : i32 to index
        %swap3A_456 = tpu.vector_load %arg9[%swap3A_455] {strides = array<i32>} : memref<1024xf32, #tpu.memory_space<vmem>>, vector<16xf32>,
        %swap3A_457 = vector.shape_cast %swap3A_456 : vector<16xf32> to vector<16xf32>
        %swap3A_458 = vector.shape_cast %mul3A_450 : vector<16xf32> to vector<16xf32>
        tpu.vector_store %arg9[%swap3A_455], %swap3A_458 {strides = array<i32>} : memref<1024xf32, #tpu.memory_space<vmem>>, vector<16xf32>,
        %get3A_459 = arith.index_cast %mul3A_132 : i32 to index
        %get3A_460 = arith.constant 32 : index
        %get3A_461 = tpu.vector_load %arg7[%get3A_459, %get3A_460] {strides = array<i32>} : memref<320x128xf32, #tpu.memory_space<vmem>>, vector<1x16xf32>,
        %get3A_462 = vector.shape_cast %get3A_461 : vector<1x16xf32> to vector<16xf32>
        %add3A_463 = arith.constant 1 : i32
        %add3A_464 = arith.addi %mul3A_132, %add3A_463 : i32
        %get3A_465 = arith.index_cast %add3A_464 : i32 to index
        %get3A_466 = arith.constant 32 : index
        %get3A_467 = tpu.vector_load %arg7[%get3A_465, %get3A_466] {strides = array<i32>} : memref<320x128xf32, #tpu.memory_space<vmem>>, vector<1x16xf32>,
        %get3A_468 = vector.shape_cast %get3A_467 : vector<1x16xf32> to vector<16xf32>
        %add3A_469 = arith.addf %get3A_462, %get3A_468 : vector<16xf32>
        %add3A_470 = arith.constant 2 : i32
        %add3A_471 = arith.addi %mul3A_132, %add3A_470 : i32
        %get3A_472 = arith.index_cast %add3A_471 : i32 to index
        %get3A_473 = arith.constant 32 : index
        %get3A_474 = tpu.vector_load %arg7[%get3A_472, %get3A_473] {strides = array<i32>} : memref<320x128xf32, #tpu.memory_space<vmem>>, vector<1x16xf32>,
        %get3A_475 = vector.shape_cast %get3A_474 : vector<1x16xf32> to vector<16xf32>
        %add3A_476 = arith.constant 3 : i32
        %add3A_477 = arith.addi %mul3A_132, %add3A_476 : i32
        %get3A_478 = arith.index_cast %add3A_477 : i32 to index
        %get3A_479 = arith.constant 32 : index
        %get3A_480 = tpu.vector_load %arg7[%get3A_478, %get3A_479] {strides = array<i32>} : memref<320x128xf32, #tpu.memory_space<vmem>>, vector<1x16xf32>,
        %get3A_481 = vector.shape_cast %get3A_480 : vector<1x16xf32> to vector<16xf32>
        %add3A_482 = arith.addf %get3A_475, %get3A_481 : vector<16xf32>
        %add3A_483 = arith.constant 4 : i32
        %add3A_484 = arith.addi %mul3A_132, %add3A_483 : i32
        %get3A_485 = arith.index_cast %add3A_484 : i32 to index
        %get3A_486 = arith.constant 32 : index
        %get3A_487 = tpu.vector_load %arg7[%get3A_485, %get3A_486] {strides = array<i32>} : memref<320x128xf32, #tpu.memory_space<vmem>>, vector<1x16xf32>,
        %get3A_488 = vector.shape_cast %get3A_487 : vector<1x16xf32> to vector<16xf32>
        %add3A_489 = arith.addf %add3A_469, %get3A_488 : vector<16xf32>
        %add3A_490 = arith.constant 4 : i32
        %add3A_491 = arith.addi %mul3A_132, %add3A_490 : i32
        %add3A_492 = arith.constant 1 : i32
        %add3A_493 = arith.addi %add3A_491, %add3A_492 : i32
        %get3A_494 = arith.index_cast %add3A_493 : i32 to index
        %get3A_495 = arith.constant 32 : index
        %get3A_496 = tpu.vector_load %arg7[%get3A_494, %get3A_495] {strides = array<i32>} : memref<320x128xf32, #tpu.memory_space<vmem>>, vector<1x16xf32>,
        %get3A_497 = vector.shape_cast %get3A_496 : vector<1x16xf32> to vector<16xf32>
        %add3A_498 = arith.addf %add3A_482, %get3A_497 : vector<16xf32>
        %add3A_499 = arith.constant 6 : i32
        %add3A_500 = arith.addi %mul3A_132, %add3A_499 : i32
        %get3A_501 = arith.index_cast %add3A_500 : i32 to index
        %get3A_502 = arith.constant 32 : index
        %get3A_503 = tpu.vector_load %arg7[%get3A_501, %get3A_502] {strides = array<i32>} : memref<320x128xf32, #tpu.memory_space<vmem>>, vector<1x16xf32>,
        %get3A_504 = vector.shape_cast %get3A_503 : vector<1x16xf32> to vector<16xf32>
        %add3A_505 = arith.addf %add3A_489, %get3A_504 : vector<16xf32>
        %add3A_506 = arith.constant 6 : i32
        %add3A_507 = arith.addi %mul3A_132, %add3A_506 : i32
        %add3A_508 = arith.constant 1 : i32
        %add3A_509 = arith.addi %add3A_507, %add3A_508 : i32
        %get3A_510 = arith.index_cast %add3A_509 : i32 to index
        %get3A_511 = arith.constant 32 : index
        %get3A_512 = tpu.vector_load %arg7[%get3A_510, %get3A_511] {strides = array<i32>} : memref<320x128xf32, #tpu.memory_space<vmem>>, vector<1x16xf32>,
        %get3A_513 = vector.shape_cast %get3A_512 : vector<1x16xf32> to vector<16xf32>
        %add3A_514 = arith.addf %add3A_498, %get3A_513 : vector<16xf32>
        %add3A_515 = arith.constant 8 : i32
        %add3A_516 = arith.addi %mul3A_132, %add3A_515 : i32
        %get3A_517 = arith.index_cast %add3A_516 : i32 to index
        %get3A_518 = arith.constant 32 : index
        %get3A_519 = tpu.vector_load %arg7[%get3A_517, %get3A_518] {strides = array<i32>} : memref<320x128xf32, #tpu.memory_space<vmem>>, vector<1x16xf32>,
        %get3A_520 = vector.shape_cast %get3A_519 : vector<1x16xf32> to vector<16xf32>
        %add3A_521 = arith.addf %add3A_505, %get3A_520 : vector<16xf32>
        %add3A_522 = arith.constant 8 : i32
        %add3A_523 = arith.addi %mul3A_132, %add3A_522 : i32
        %add3A_524 = arith.constant 1 : i32
        %add3A_525 = arith.addi %add3A_523, %add3A_524 : i32
        %get3A_526 = arith.index_cast %add3A_525 : i32 to index
        %get3A_527 = arith.constant 32 : index
        %get3A_528 = tpu.vector_load %arg7[%get3A_526, %get3A_527] {strides = array<i32>} : memref<320x128xf32, #tpu.memory_space<vmem>>, vector<1x16xf32>,
        %get3A_529 = vector.shape_cast %get3A_528 : vector<1x16xf32> to vector<16xf32>
        %add3A_530 = arith.addf %add3A_514, %get3A_529 : vector<16xf32>
        %add3A_531 = arith.constant 10 : i32
        %add3A_532 = arith.addi %mul3A_132, %add3A_531 : i32
        %get3A_533 = arith.index_cast %add3A_532 : i32 to index
        %get3A_534 = arith.constant 32 : index
        %get3A_535 = tpu.vector_load %arg7[%get3A_533, %get3A_534] {strides = array<i32>} : memref<320x128xf32, #tpu.memory_space<vmem>>, vector<1x16xf32>,
        %get3A_536 = vector.shape_cast %get3A_535 : vector<1x16xf32> to vector<16xf32>
        %add3A_537 = arith.addf %add3A_521, %get3A_536 : vector<16xf32>
        %add3A_538 = arith.constant 10 : i32
        %add3A_539 = arith.addi %mul3A_132, %add3A_538 : i32
        %add3A_540 = arith.constant 1 : i32
        %add3A_541 = arith.addi %add3A_539, %add3A_540 : i32
        %get3A_542 = arith.index_cast %add3A_541 : i32 to index
        %get3A_543 = arith.constant 32 : index
        %get3A_544 = tpu.vector_load %arg7[%get3A_542, %get3A_543] {strides = array<i32>} : memref<320x128xf32, #tpu.memory_space<vmem>>, vector<1x16xf32>,
        %get3A_545 = vector.shape_cast %get3A_544 : vector<1x16xf32> to vector<16xf32>
        %add3A_546 = arith.addf %add3A_530, %get3A_545 : vector<16xf32>
        %add3A_547 = arith.constant 12 : i32
        %add3A_548 = arith.addi %mul3A_132, %add3A_547 : i32
        %get3A_549 = arith.index_cast %add3A_548 : i32 to index
        %get3A_550 = arith.constant 32 : index
        %get3A_551 = tpu.vector_load %arg7[%get3A_549, %get3A_550] {strides = array<i32>} : memref<320x128xf32, #tpu.memory_space<vmem>>, vector<1x16xf32>,
        %get3A_552 = vector.shape_cast %get3A_551 : vector<1x16xf32> to vector<16xf32>
        %add3A_553 = arith.addf %add3A_537, %get3A_552 : vector<16xf32>
        %add3A_554 = arith.constant 12 : i32
        %add3A_555 = arith.addi %mul3A_132, %add3A_554 : i32
        %add3A_556 = arith.constant 1 : i32
        %add3A_557 = arith.addi %add3A_555, %add3A_556 : i32
        %get3A_558 = arith.index_cast %add3A_557 : i32 to index
        %get3A_559 = arith.constant 32 : index
        %get3A_560 = tpu.vector_load %arg7[%get3A_558, %get3A_559] {strides = array<i32>} : memref<320x128xf32, #tpu.memory_space<vmem>>, vector<1x16xf32>,
        %get3A_561 = vector.shape_cast %get3A_560 : vector<1x16xf32> to vector<16xf32>
        %add3A_562 = arith.addf %add3A_546, %get3A_561 : vector<16xf32>
        %add3A_563 = arith.constant 14 : i32
        %add3A_564 = arith.addi %mul3A_132, %add3A_563 : i32
        %get3A_565 = arith.index_cast %add3A_564 : i32 to index
        %get3A_566 = arith.constant 32 : index
        %get3A_567 = tpu.vector_load %arg7[%get3A_565, %get3A_566] {strides = array<i32>} : memref<320x128xf32, #tpu.memory_space<vmem>>, vector<1x16xf32>,
        %get3A_568 = vector.shape_cast %get3A_567 : vector<1x16xf32> to vector<16xf32>
        %add3A_569 = arith.addf %add3A_553, %get3A_568 : vector<16xf32>
        %add3A_570 = arith.constant 14 : i32
        %add3A_571 = arith.addi %mul3A_132, %add3A_570 : i32
        %add3A_572 = arith.constant 1 : i32
        %add3A_573 = arith.addi %add3A_571, %add3A_572 : i32
        %get3A_574 = arith.index_cast %add3A_573 : i32 to index
        %get3A_575 = arith.constant 32 : index
        %get3A_576 = tpu.vector_load %arg7[%get3A_574, %get3A_575] {strides = array<i32>} : memref<320x128xf32, #tpu.memory_space<vmem>>, vector<1x16xf32>,
        %get3A_577 = vector.shape_cast %get3A_576 : vector<1x16xf32> to vector<16xf32>
        %add3A_578 = arith.addf %add3A_562, %get3A_577 : vector<16xf32>
        %add3A_579 = arith.constant 16 : i32
        %add3A_580 = arith.addi %mul3A_132, %add3A_579 : i32
        %get3A_581 = arith.index_cast %add3A_580 : i32 to index
        %get3A_582 = arith.constant 32 : index
        %get3A_583 = tpu.vector_load %arg7[%get3A_581, %get3A_582] {strides = array<i32>} : memref<320x128xf32, #tpu.memory_space<vmem>>, vector<1x16xf32>,
        %get3A_584 = vector.shape_cast %get3A_583 : vector<1x16xf32> to vector<16xf32>
        %add3A_585 = arith.addf %add3A_569, %get3A_584 : vector<16xf32>
        %add3A_586 = arith.constant 16 : i32
        %add3A_587 = arith.addi %mul3A_132, %add3A_586 : i32
        %add3A_588 = arith.constant 1 : i32
        %add3A_589 = arith.addi %add3A_587, %add3A_588 : i32
        %get3A_590 = arith.index_cast %add3A_589 : i32 to index
        %get3A_591 = arith.constant 32 : index
        %get3A_592 = tpu.vector_load %arg7[%get3A_590, %get3A_591] {strides = array<i32>} : memref<320x128xf32, #tpu.memory_space<vmem>>, vector<1x16xf32>,
        %get3A_593 = vector.shape_cast %get3A_592 : vector<1x16xf32> to vector<16xf32>
        %add3A_594 = arith.addf %add3A_578, %get3A_593 : vector<16xf32>
        %add3A_595 = arith.constant 18 : i32
        %add3A_596 = arith.addi %mul3A_132, %add3A_595 : i32
        %get3A_597 = arith.index_cast %add3A_596 : i32 to index
        %get3A_598 = arith.constant 32 : index
        %get3A_599 = tpu.vector_load %arg7[%get3A_597, %get3A_598] {strides = array<i32>} : memref<320x128xf32, #tpu.memory_space<vmem>>, vector<1x16xf32>,
        %get3A_600 = vector.shape_cast %get3A_599 : vector<1x16xf32> to vector<16xf32>
        %add3A_601 = arith.addf %add3A_585, %get3A_600 : vector<16xf32>
        %add3A_602 = arith.constant 18 : i32
        %add3A_603 = arith.addi %mul3A_132, %add3A_602 : i32
        %add3A_604 = arith.constant 1 : i32
        %add3A_605 = arith.addi %add3A_603, %add3A_604 : i32
        %get3A_606 = arith.index_cast %add3A_605 : i32 to index
        %get3A_607 = arith.constant 32 : index
        %get3A_608 = tpu.vector_load %arg7[%get3A_606, %get3A_607] {strides = array<i32>} : memref<320x128xf32, #tpu.memory_space<vmem>>, vector<1x16xf32>,
        %get3A_609 = vector.shape_cast %get3A_608 : vector<1x16xf32> to vector<16xf32>
        %add3A_610 = arith.addf %add3A_594, %get3A_609 : vector<16xf32>
        %add3A_611 = arith.addf %add3A_601, %add3A_610 : vector<16xf32>
        %mul3A_612 = arith.constant 5.000000e-02 : f32
        %mul3A_613 = vector.broadcast %mul3A_612 : f32 to vector<16xf32>
        %mul3A_614 = arith.mulf %add3A_611, %mul3A_613 : vector<16xf32>
        %mul3A_615 = arith.constant 64 : i32
        %mul3A_616 = arith.muli %add3A_130, %mul3A_615 : i32
        %add3A_617 = arith.constant 32 : i32
        %add3A_618 = arith.addi %mul3A_616, %add3A_617 : i32
        %swap3A_619 = arith.index_cast %add3A_618 : i32 to index
        %swap3A_620 = tpu.vector_load %arg9[%swap3A_619] {strides = array<i32>} : memref<1024xf32, #tpu.memory_space<vmem>>, vector<16xf32>,
        %swap3A_621 = vector.shape_cast %swap3A_620 : vector<16xf32> to vector<16xf32>
        %swap3A_622 = vector.shape_cast %mul3A_614 : vector<16xf32> to vector<16xf32>
        tpu.vector_store %arg9[%swap3A_619], %swap3A_622 {strides = array<i32>} : memref<1024xf32, #tpu.memory_space<vmem>>, vector<16xf32>,
        %get3A_623 = arith.index_cast %mul3A_132 : i32 to index
        %get3A_624 = arith.constant 48 : index
        %get3A_625 = tpu.vector_load %arg7[%get3A_623, %get3A_624] {strides = array<i32>} : memref<320x128xf32, #tpu.memory_space<vmem>>, vector<1x16xf32>,
        %get3A_626 = vector.shape_cast %get3A_625 : vector<1x16xf32> to vector<16xf32>
        %add3A_627 = arith.constant 1 : i32
        %add3A_628 = arith.addi %mul3A_132, %add3A_627 : i32
        %get3A_629 = arith.index_cast %add3A_628 : i32 to index
        %get3A_630 = arith.constant 48 : index
        %get3A_631 = tpu.vector_load %arg7[%get3A_629, %get3A_630] {strides = array<i32>} : memref<320x128xf32, #tpu.memory_space<vmem>>, vector<1x16xf32>,
        %get3A_632 = vector.shape_cast %get3A_631 : vector<1x16xf32> to vector<16xf32>
        %add3A_633 = arith.addf %get3A_626, %get3A_632 : vector<16xf32>
        %add3A_634 = arith.constant 2 : i32
        %add3A_635 = arith.addi %mul3A_132, %add3A_634 : i32
        %get3A_636 = arith.index_cast %add3A_635 : i32 to index
        %get3A_637 = arith.constant 48 : index
        %get3A_638 = tpu.vector_load %arg7[%get3A_636, %get3A_637] {strides = array<i32>} : memref<320x128xf32, #tpu.memory_space<vmem>>, vector<1x16xf32>,
        %get3A_639 = vector.shape_cast %get3A_638 : vector<1x16xf32> to vector<16xf32>
        %add3A_640 = arith.constant 3 : i32
        %add3A_641 = arith.addi %mul3A_132, %add3A_640 : i32
        %get3A_642 = arith.index_cast %add3A_641 : i32 to index
        %get3A_643 = arith.constant 48 : index
        %get3A_644 = tpu.vector_load %arg7[%get3A_642, %get3A_643] {strides = array<i32>} : memref<320x128xf32, #tpu.memory_space<vmem>>, vector<1x16xf32>,
        %get3A_645 = vector.shape_cast %get3A_644 : vector<1x16xf32> to vector<16xf32>
        %add3A_646 = arith.addf %get3A_639, %get3A_645 : vector<16xf32>
        %add3A_647 = arith.constant 4 : i32
        %add3A_648 = arith.addi %mul3A_132, %add3A_647 : i32
        %get3A_649 = arith.index_cast %add3A_648 : i32 to index
        %get3A_650 = arith.constant 48 : index
        %get3A_651 = tpu.vector_load %arg7[%get3A_649, %get3A_650] {strides = array<i32>} : memref<320x128xf32, #tpu.memory_space<vmem>>, vector<1x16xf32>,
        %get3A_652 = vector.shape_cast %get3A_651 : vector<1x16xf32> to vector<16xf32>
        %add3A_653 = arith.addf %add3A_633, %get3A_652 : vector<16xf32>
        %add3A_654 = arith.constant 4 : i32
        %add3A_655 = arith.addi %mul3A_132, %add3A_654 : i32
        %add3A_656 = arith.constant 1 : i32
        %add3A_657 = arith.addi %add3A_655, %add3A_656 : i32
        %get3A_658 = arith.index_cast %add3A_657 : i32 to index
        %get3A_659 = arith.constant 48 : index
        %get3A_660 = tpu.vector_load %arg7[%get3A_658, %get3A_659] {strides = array<i32>} : memref<320x128xf32, #tpu.memory_space<vmem>>, vector<1x16xf32>,
        %get3A_661 = vector.shape_cast %get3A_660 : vector<1x16xf32> to vector<16xf32>
        %add3A_662 = arith.addf %add3A_646, %get3A_661 : vector<16xf32>
        %add3A_663 = arith.constant 6 : i32
        %add3A_664 = arith.addi %mul3A_132, %add3A_663 : i32
        %get3A_665 = arith.index_cast %add3A_664 : i32 to index
        %get3A_666 = arith.constant 48 : index
        %get3A_667 = tpu.vector_load %arg7[%get3A_665, %get3A_666] {strides = array<i32>} : memref<320x128xf32, #tpu.memory_space<vmem>>, vector<1x16xf32>,
        %get3A_668 = vector.shape_cast %get3A_667 : vector<1x16xf32> to vector<16xf32>
        %add3A_669 = arith.addf %add3A_653, %get3A_668 : vector<16xf32>
        %add3A_670 = arith.constant 6 : i32
        %add3A_671 = arith.addi %mul3A_132, %add3A_670 : i32
        %add3A_672 = arith.constant 1 : i32
        %add3A_673 = arith.addi %add3A_671, %add3A_672 : i32
        %get3A_674 = arith.index_cast %add3A_673 : i32 to index
        %get3A_675 = arith.constant 48 : index
        %get3A_676 = tpu.vector_load %arg7[%get3A_674, %get3A_675] {strides = array<i32>} : memref<320x128xf32, #tpu.memory_space<vmem>>, vector<1x16xf32>,
        %get3A_677 = vector.shape_cast %get3A_676 : vector<1x16xf32> to vector<16xf32>
        %add3A_678 = arith.addf %add3A_662, %get3A_677 : vector<16xf32>
        %add3A_679 = arith.constant 8 : i32
        %add3A_680 = arith.addi %mul3A_132, %add3A_679 : i32
        %get3A_681 = arith.index_cast %add3A_680 : i32 to index
        %get3A_682 = arith.constant 48 : index
        %get3A_683 = tpu.vector_load %arg7[%get3A_681, %get3A_682] {strides = array<i32>} : memref<320x128xf32, #tpu.memory_space<vmem>>, vector<1x16xf32>,
        %get3A_684 = vector.shape_cast %get3A_683 : vector<1x16xf32> to vector<16xf32>
        %add3A_685 = arith.addf %add3A_669, %get3A_684 : vector<16xf32>
        %add3A_686 = arith.constant 8 : i32
        %add3A_687 = arith.addi %mul3A_132, %add3A_686 : i32
        %add3A_688 = arith.constant 1 : i32
        %add3A_689 = arith.addi %add3A_687, %add3A_688 : i32
        %get3A_690 = arith.index_cast %add3A_689 : i32 to index
        %get3A_691 = arith.constant 48 : index
        %get3A_692 = tpu.vector_load %arg7[%get3A_690, %get3A_691] {strides = array<i32>} : memref<320x128xf32, #tpu.memory_space<vmem>>, vector<1x16xf32>,
        %get3A_693 = vector.shape_cast %get3A_692 : vector<1x16xf32> to vector<16xf32>
        %add3A_694 = arith.addf %add3A_678, %get3A_693 : vector<16xf32>
        %add3A_695 = arith.constant 10 : i32
        %add3A_696 = arith.addi %mul3A_132, %add3A_695 : i32
        %get3A_697 = arith.index_cast %add3A_696 : i32 to index
        %get3A_698 = arith.constant 48 : index
        %get3A_699 = tpu.vector_load %arg7[%get3A_697, %get3A_698] {strides = array<i32>} : memref<320x128xf32, #tpu.memory_space<vmem>>, vector<1x16xf32>,
        %get3A_700 = vector.shape_cast %get3A_699 : vector<1x16xf32> to vector<16xf32>
        %add3A_701 = arith.addf %add3A_685, %get3A_700 : vector<16xf32>
        %add3A_702 = arith.constant 10 : i32
        %add3A_703 = arith.addi %mul3A_132, %add3A_702 : i32
        %add3A_704 = arith.constant 1 : i32
        %add3A_705 = arith.addi %add3A_703, %add3A_704 : i32
        %get3A_706 = arith.index_cast %add3A_705 : i32 to index
        %get3A_707 = arith.constant 48 : index
        %get3A_708 = tpu.vector_load %arg7[%get3A_706, %get3A_707] {strides = array<i32>} : memref<320x128xf32, #tpu.memory_space<vmem>>, vector<1x16xf32>,
        %get3A_709 = vector.shape_cast %get3A_708 : vector<1x16xf32> to vector<16xf32>
        %add3A_710 = arith.addf %add3A_694, %get3A_709 : vector<16xf32>
        %add3A_711 = arith.constant 12 : i32
        %add3A_712 = arith.addi %mul3A_132, %add3A_711 : i32
        %get3A_713 = arith.index_cast %add3A_712 : i32 to index
        %get3A_714 = arith.constant 48 : index
        %get3A_715 = tpu.vector_load %arg7[%get3A_713, %get3A_714] {strides = array<i32>} : memref<320x128xf32, #tpu.memory_space<vmem>>, vector<1x16xf32>,
        %get3A_716 = vector.shape_cast %get3A_715 : vector<1x16xf32> to vector<16xf32>
        %add3A_717 = arith.addf %add3A_701, %get3A_716 : vector<16xf32>
        %add3A_718 = arith.constant 12 : i32
        %add3A_719 = arith.addi %mul3A_132, %add3A_718 : i32
        %add3A_720 = arith.constant 1 : i32
        %add3A_721 = arith.addi %add3A_719, %add3A_720 : i32
        %get3A_722 = arith.index_cast %add3A_721 : i32 to index
        %get3A_723 = arith.constant 48 : index
        %get3A_724 = tpu.vector_load %arg7[%get3A_722, %get3A_723] {strides = array<i32>} : memref<320x128xf32, #tpu.memory_space<vmem>>, vector<1x16xf32>,
        %get3A_725 = vector.shape_cast %get3A_724 : vector<1x16xf32> to vector<16xf32>
        %add3A_726 = arith.addf %add3A_710, %get3A_725 : vector<16xf32>
        %add3A_727 = arith.constant 14 : i32
        %add3A_728 = arith.addi %mul3A_132, %add3A_727 : i32
        %get3A_729 = arith.index_cast %add3A_728 : i32 to index
        %get3A_730 = arith.constant 48 : index
        %get3A_731 = tpu.vector_load %arg7[%get3A_729, %get3A_730] {strides = array<i32>} : memref<320x128xf32, #tpu.memory_space<vmem>>, vector<1x16xf32>,
        %get3A_732 = vector.shape_cast %get3A_731 : vector<1x16xf32> to vector<16xf32>
        %add3A_733 = arith.addf %add3A_717, %get3A_732 : vector<16xf32>
        %add3A_734 = arith.constant 14 : i32
        %add3A_735 = arith.addi %mul3A_132, %add3A_734 : i32
        %add3A_736 = arith.constant 1 : i32
        %add3A_737 = arith.addi %add3A_735, %add3A_736 : i32
        %get3A_738 = arith.index_cast %add3A_737 : i32 to index
        %get3A_739 = arith.constant 48 : index
        %get3A_740 = tpu.vector_load %arg7[%get3A_738, %get3A_739] {strides = array<i32>} : memref<320x128xf32, #tpu.memory_space<vmem>>, vector<1x16xf32>,
        %get3A_741 = vector.shape_cast %get3A_740 : vector<1x16xf32> to vector<16xf32>
        %add3A_742 = arith.addf %add3A_726, %get3A_741 : vector<16xf32>
        %add3A_743 = arith.constant 16 : i32
        %add3A_744 = arith.addi %mul3A_132, %add3A_743 : i32
        %get3A_745 = arith.index_cast %add3A_744 : i32 to index
        %get3A_746 = arith.constant 48 : index
        %get3A_747 = tpu.vector_load %arg7[%get3A_745, %get3A_746] {strides = array<i32>} : memref<320x128xf32, #tpu.memory_space<vmem>>, vector<1x16xf32>,
        %get3A_748 = vector.shape_cast %get3A_747 : vector<1x16xf32> to vector<16xf32>
        %add3A_749 = arith.addf %add3A_733, %get3A_748 : vector<16xf32>
        %add3A_750 = arith.constant 16 : i32
        %add3A_751 = arith.addi %mul3A_132, %add3A_750 : i32
        %add3A_752 = arith.constant 1 : i32
        %add3A_753 = arith.addi %add3A_751, %add3A_752 : i32
        %get3A_754 = arith.index_cast %add3A_753 : i32 to index
        %get3A_755 = arith.constant 48 : index
        %get3A_756 = tpu.vector_load %arg7[%get3A_754, %get3A_755] {strides = array<i32>} : memref<320x128xf32, #tpu.memory_space<vmem>>, vector<1x16xf32>,
        %get3A_757 = vector.shape_cast %get3A_756 : vector<1x16xf32> to vector<16xf32>
        %add3A_758 = arith.addf %add3A_742, %get3A_757 : vector<16xf32>
        %add3A_759 = arith.constant 18 : i32
        %add3A_760 = arith.addi %mul3A_132, %add3A_759 : i32
        %get3A_761 = arith.index_cast %add3A_760 : i32 to index
        %get3A_762 = arith.constant 48 : index
        %get3A_763 = tpu.vector_load %arg7[%get3A_761, %get3A_762] {strides = array<i32>} : memref<320x128xf32, #tpu.memory_space<vmem>>, vector<1x16xf32>,
        %get3A_764 = vector.shape_cast %get3A_763 : vector<1x16xf32> to vector<16xf32>
        %add3A_765 = arith.addf %add3A_749, %get3A_764 : vector<16xf32>
        %add3A_766 = arith.constant 18 : i32
        %add3A_767 = arith.addi %mul3A_132, %add3A_766 : i32
        %add3A_768 = arith.constant 1 : i32
        %add3A_769 = arith.addi %add3A_767, %add3A_768 : i32
        %get3A_770 = arith.index_cast %add3A_769 : i32 to index
        %get3A_771 = arith.constant 48 : index
        %get3A_772 = tpu.vector_load %arg7[%get3A_770, %get3A_771] {strides = array<i32>} : memref<320x128xf32, #tpu.memory_space<vmem>>, vector<1x16xf32>,
        %get3A_773 = vector.shape_cast %get3A_772 : vector<1x16xf32> to vector<16xf32>
        %add3A_774 = arith.addf %add3A_758, %get3A_773 : vector<16xf32>
        %add3A_775 = arith.addf %add3A_765, %add3A_774 : vector<16xf32>
        %mul3A_776 = arith.constant 5.000000e-02 : f32
        %mul3A_777 = vector.broadcast %mul3A_776 : f32 to vector<16xf32>
        %mul3A_778 = arith.mulf %add3A_775, %mul3A_777 : vector<16xf32>
        %mul3A_779 = arith.constant 64 : i32
        %mul3A_780 = arith.muli %add3A_130, %mul3A_779 : i32
        %add3A_781 = arith.constant 48 : i32
        %add3A_782 = arith.addi %mul3A_780, %add3A_781 : i32
        %swap3A_783 = arith.index_cast %add3A_782 : i32 to index
        %swap3A_784 = tpu.vector_load %arg9[%swap3A_783] {strides = array<i32>} : memref<1024xf32, #tpu.memory_space<vmem>>, vector<16xf32>,
        %swap3A_785 = vector.shape_cast %swap3A_784 : vector<16xf32> to vector<16xf32>
        %swap3A_786 = vector.shape_cast %mul3A_778 : vector<16xf32> to vector<16xf32>
        tpu.vector_store %arg9[%swap3A_783], %swap3A_786 {strides = array<i32>} : memref<1024xf32, #tpu.memory_space<vmem>>, vector<16xf32>,
      }
      %scan3A_120 = arith.constant 16 : i32
      %mul3A_121 = arith.constant 1024 : i32
      %mul3A_122 = arith.muli %add3A_110, %mul3A_121 : i32
      %add3A_123 = arith.addi %mul3A_2, %mul3A_122 : i32
      %dma_start3A_124 = tpu.memref_slice %arg4[%add3A_123] : memref<3276800xf32, #tpu.memory_space<hbm>> -> memref<1024xf32, #tpu.memory_space<hbm>>
      %dma_start3A_125 = tpu.memref_slice %arg4[%add3A_123] : memref<3276800xf32, #tpu.memory_space<hbm>> -> memref<1024xf32, #tpu.memory_space<hbm>>
      tpu.enqueue_dma source(%arg9 : memref<1024xf32, #tpu.memory_space<vmem>>) target(%dma_start3A_125 : memref<1024xf32, #tpu.memory_space<hbm>>) target_semaphore(%arg12 : memref<!tpu.dma_semaphore, #tpu.memory_space<semaphore_mem>>)
    }
    %scan3A_31 = arith.constant 50 : i32
    %dma_wait3A = arith.constant 0 : i32
    %dma_wait3A_32 = tpu.memref_slice %arg4[%dma_wait3A] : memref<3276800xf32, #tpu.memory_space<hbm>> -> memref<1024xf32, #tpu.memory_space<hbm>>
    %dma_wait3A_33 = arith.constant 0 : i32
    %dma_wait3A_34 = tpu.memref_slice %arg4[%dma_wait3A_33] : memref<3276800xf32, #tpu.memory_space<hbm>> -> memref<1024xf32, #tpu.memory_space<hbm>>
    tpu.wait_dma2 semaphore(%arg12 : memref<!tpu.dma_semaphore, #tpu.memory_space<semaphore_mem>>) src(%dma_wait3A_34 : memref<1024xf32, #tpu.memory_space<hbm>>) dst(%arg8 : memref<1024xf32, #tpu.memory_space<vmem>>)
    %dma_wait3A_35 = arith.constant 0 : i32
    %dma_wait3A_36 = tpu.memref_slice %arg4[%dma_wait3A_35] : memref<3276800xf32, #tpu.memory_space<hbm>> -> memref<1024xf32, #tpu.memory_space<hbm>>
    %dma_wait3A_37 = arith.constant 0 : i32
    %dma_wait3A_38 = tpu.memref_slice %arg4[%dma_wait3A_37] : memref<3276800xf32, #tpu.memory_space<hbm>> -> memref<1024xf32, #tpu.memory_space<hbm>>
    tpu.wait_dma2 semaphore(%arg12 : memref<!tpu.dma_semaphore, #tpu.memory_space<semaphore_mem>>) src(%dma_wait3A_38 : memref<1024xf32, #tpu.memory_space<hbm>>) dst(%arg9 : memref<1024xf32, #tpu.memory_space<vmem>>)
    return
  }
}

</mosaic_0001>

<sc_bundles>
// kernel: _pooled_lookup.3.cloned.1.call-start
scs
__scs_entry_jumppad:
0x0: {  	(pc) =	sbr.rel $0x88, $3  }
0x1: {  	(tag) =	ssettag $0x0;
	lr =	simm.s32 $0x1  }
0x2: {  	[smem:$0x3F9F] =	sst lr;
	_ =	strace $0xD0000000  }
0x3: {  	_ = 	snop  }
0x4: {  	_ = 	snop  }
0x5: {  	_ = 	snop  }
0x6: {  	_ = 	snop  }
0x7: {  	_ = 	snop  }
__scs_overlays_trampoline_lowered:
0x8: {  	[smem:$0x3FAE] =	sst s0  }
0x9: {  	[smem:$0x3FAF] =	sst s1  }
0xa: {  	[smem:$0x3FB0] =	sst s2  }
0xb: {  	[smem:$0x3FB1] =	sst s3  }
0xc: {  	[smem:$0x3FB2] =	sst s4  }
0xd: {  	[smem:$0x3FB3] =	sst s5  }
0xe: {  	[smem:$0x3FB4] =	sst s6  }
0xf: {  	[smem:$0x3FB5] =	sst s7  }
0x10: {  	[smem:$0x3FB6] =	sst s8  }
0x11: {  	[smem:$0x3FB7] =	sst s9;
	s0 =	simm.s32 @!p0 $0x0  }
0x12: {  	s1 =	sld [smem:$0x3F9D];
	s0 =	simm.s32 @p0 $0x1  }
0x13: {  	[smem:$0x3FB8] =	sst s0;
	s0 =	simm.s32 @!p1 $0x0  }
0x14: {  	s2 =	sld [smem:$0x3F9C];
	s0 =	simm.s32 @p1 $0x1  }
0x15: {  	[smem:$0x3FB9] =	sst s0;
	s0 =	simm.s32 @!p2 $0x0  }
0x16: {  	s3 =	sld [smem:$0x3FDB];
	s0 =	simm.s32 @p2 $0x1  }
0x17: {  	s4 =	simm.s32 $0x1BF5;
	[smem:$0x3FBB] =	sst s0  }
0x18: {  	s0 =	sld [smem:$0x3F9E];
	_ =	swait.ge [sflag:s4], $0x0  }
0x19: {  	s7 =	sld [smem:$0x3F9F]  }
0x1a: {  	s8 =	sadd.s32 $0xFFFFE003, lr  }
0x1b: {  	s9 =	sadd.s32 $0xFFFFFEF7, lr;
	s5 =	simm.s32 $0xFFFFFFFF;
	p2 =	slt.u32 s8, $0xFFFFF086  }
0x1c: {  	p1 =	slt.u32 s9, $0xF7A;
	s5 =	simm.s32 @!p2 $0x0  }
0x1d: {  	s5 =	simm.s32 @p1 $0x1;
	p0 =	seq.s32 s7, s2  }
0x1e: {  	s7 =	smul.u32 @!p0 $0xF7A, s2;
	p2 =	seq.s32 @!p0 s5, $0x0  }
0x1f: {  	s9 =	smul.u32 $0xF7A, s1;
	s8 =	simm.s32 @!p0 $0x1BF5;
	p2 =	por !p2, p0  }
0x20: {  	[sflag:s8] =	ssyncset.s32 @!p0 $0xFFFFF086;
	s6 =	sadd.s32 @!p0 s3, s7;
	s7 =	simm.s32 @!p0 $0x108  }
0x21: {  	s3 =	sadd.s32 s3, s9;
	s6 =	sadd.s32 @!p0 $0x88, s6;
	s7 =	simm.s32 @p2 $0x1082  }
0x22: {  	[simem:s7], [sflag:s8] =	dma.local @!p0 [hbm:s6], $0xF7A  }
0x23: {  	s9 =	sor.u32 $0xD0000000, s2;
	s6 =	simm.s32 $0x108;
	_ =	swait.ge @!p0 [sflag:s8], $0x0  }
0x24: {  	s3 =	sadd.s32 $0x88, s3;
	s6 =	simm.s32 @!p1 $0x1082;
	[sflag:s4] =	ssyncset.s32 $0xFFFFF086  }
0x25: {  	[simem:s6], [sflag:s4] =	dma.local [hbm:s3], $0xF7A  }
0x26: {  	[smem:$0x3F9F] =	sst s1;
	(tag) =	ssettag s2;
	_ =	strace s9  }
0x27: {  	s1 =	sld [smem:$0x3FAF]  }
0x28: {  	s2 =	sld [smem:$0x3FB0]  }
0x29: {  	s4 =	sld [smem:$0x3FB2]  }
0x2a: {  	p0 =	seq.s32 s5, $0x0;
	s5 =	sld [smem:$0x3FB3]  }
0x2b: {  	s6 =	sld [smem:$0x3FB4]  }
0x2c: {  	s7 =	sld [smem:$0x3FB5]  }
0x2d: {  	s3 =	simm.s32 $0x108;
	s8 =	sld [smem:$0x3FB6]  }
0x2e: {  	s3 =	simm.s32 @!p0 $0x1082;
	s9 =	sld [smem:$0x3FB7]  }
0x2f: {  	lr =	sadd.s32 s0, s3;
	s0 =	sld [smem:$0x3FAE]  }
0x30: {  	s3 =	sld [smem:$0x3FB1]  }
0x31: {  	[smem:$0x3FBA] =	sst s10  }
0x32: {  	s10 =	sld [smem:$0x3FB8];
	_ =	sdelay $0x3  }
0x33: {  	p0 =	seq.s32 s10, $0x1;
	s10 =	sld [smem:$0x3FBA];
	_ =	sdelay $0x3  }
0x34: {  	[smem:$0x3FBA] =	sst s10  }
0x35: {  	s10 =	sld [smem:$0x3FB9];
	_ =	sdelay $0x3  }
0x36: {  	p1 =	seq.s32 s10, $0x1;
	s10 =	sld [smem:$0x3FBA];
	_ =	sdelay $0x3  }
0x37: {  	[smem:$0x3FBA] =	sst s10  }
0x38: {  	s10 =	sld [smem:$0x3FBB]  }
0x39: {  	_ = 	snop;
	(pc) =	sbr.ind lr, $3  }
0x3a: {  	_ = 	snop  }
0x3b: {  	_ = 	snop  }
0x3c: {  	p2 =	seq.s32 s10, $0x1;
	s10 =	sld [smem:$0x3FBA]  }
0x3d: {  	_ =	shalt  }
0x3e: {  	_ =	shalt  }
0x3f: {  	_ =	shalt  }
0x40: {  	_ =	shalt  }
0x41: {  	_ =	shalt  }
0x42: {  	_ =	shalt  }
0x43: {  	_ =	shalt  }
0x44: {  	_ =	shalt  }
0x45: {  	_ =	shalt  }
0x46: {  	_ =	shalt  }
0x47: {  	_ =	shalt  }
0x48: {  	_ =	shalt  }
0x49: {  	_ =	shalt  }
0x4a: {  	_ =	shalt  }
0x4b: {  	_ =	shalt  }
0x4c: {  	_ =	shalt  }
0x4d: {  	_ =	shalt  }
0x4e: {  	_ =	shalt  }
0x4f: {  	_ =	shalt  }
0x50: {  	_ =	shalt  }
0x51: {  	_ =	shalt  }
0x52: {  	_ =	shalt  }
0x53: {  	_ =	shalt  }
0x54: {  	_ =	shalt  }
0x55: {  	_ =	shalt  }
0x56: {  	_ =	shalt  }
0x57: {  	_ =	shalt  }
0x58: {  	_ =	shalt  }
0x59: {  	_ =	shalt  }
0x5a: {  	_ =	shalt  }
0x5b: {  	_ =	shalt  }
0x5c: {  	_ =	shalt  }
0x5d: {  	_ =	shalt  }
0x5e: {  	_ =	shalt  }
0x5f: {  	_ =	shalt  }
0x60: {  	_ =	shalt  }
0x61: {  	_ =	shalt  }
0x62: {  	_ =	shalt  }
0x63: {  	_ =	shalt  }
0x64: {  	_ =	shalt  }
0x65: {  	_ =	shalt  }
0x66: {  	_ =	shalt  }
0x67: {  	_ =	shalt  }
0x68: {  	_ =	shalt  }
0x69: {  	_ =	shalt  }
0x6a: {  	_ =	shalt  }
0x6b: {  	_ =	shalt  }
0x6c: {  	_ =	shalt  }
0x6d: {  	_ =	shalt  }
0x6e: {  	_ =	shalt  }
0x6f: {  	_ =	shalt  }
0x70: {  	_ =	shalt  }
0x71: {  	_ =	shalt  }
0x72: {  	_ =	shalt  }
0x73: {  	_ =	shalt  }
0x74: {  	_ =	shalt  }
0x75: {  	_ =	shalt  }
0x76: {  	_ =	shalt  }
0x77: {  	_ =	shalt  }
0x78: {  	_ =	shalt  }
0x79: {  	_ =	shalt  }
0x7a: {  	_ =	shalt  }
0x7b: {  	_ =	shalt  }
0x7c: {  	_ =	shalt  }
0x7d: {  	_ =	shalt  }
0x7e: {  	_ =	shalt  }
0x7f: {  	_ =	shalt  }
0x80: {  	_ =	shalt  }
0x81: {  	_ =	shalt  }
0x82: {  	_ =	shalt  }
0x83: {  	_ =	shalt  }
0x84: {  	_ =	shalt  }
0x85: {  	_ =	shalt  }
0x86: {  	_ =	shalt  }
0x87: {  	_ =	shalt  }
.Lfunc_end0:
.L_simem_size_0:
called_computation_lowered:
.L_overlay_start_0:
0x88: {  	s2 =	sld [smem:$0x3FD9]  }
0x89: {  	s3 =	sld [smem:$0x3FFE];
	_ =	sdelay $0x1  }
0x8a: {  	s1 =	srdreg.scid  }
0x8b: {  	s0 =	sand.u32 $0x1, s1  }
0x8c: {  	s17 =	sshll.u32 s0, $0xA;
	s2 =	sadd.s32 s3, s2  }
0x8d: {  	s2 =	sadd.s32 s2, s17  }
0x8e: {  	[smem:$0x3FC6] =	sst s2  }
0x8f: {  	_ = 	snop  }
0x90: {  	s2 =	sld [smem:$0x3FC8]  }
0x91: {  	s18 =	sld [smem:$0x3FD0];
	(tm) =	ssettm $0x1  }
0x92: {  	s4 =	sld [smem:$0x3FFB];
	_ =	sdelay $0x3  }
0x93: {  	_ =	strace s4  }
0x94: {  	s4 =	sld [smem:$0x3FFC];
	_ =	sdelay $0x3  }
0x95: {  	_ =	strace s4  }
0x96: {  	s4 =	sld [smem:$0x3FFD];
	_ =	sdelay $0x3  }
0x97: {  	_ =	strace s4  }
0x98: {  	_ =	strace $0x8FFFFFFF  }
0x99: {  	s19 =	sld [smem:$0x3FDB];
	_ =	sdelay $0x1  }
0x9a: {  	s5 =	simm.s32 $_scs_section_size  }
0x9b: {  	s6 =	simm.s32 $_size__tile_overlayer_lowered;
	s7 =	simm.s32 $_tile_overlayer_lowered  }
0x9c: {  	s22 =	simm.s32 $0x1BFF;
	s21 =	sshll.u32 s7, $0x1;
	s4 =	sadd.s32 s5, s19  }
0x9d: {  	s8 =	simm.s32 $0x0;
	s20 =	sshll.u32 s6, $0x1;
	s6 =	sadd.s32 s21, s4  }
0x9e: {  	[timem:s8], [sflag:s22] =	dma.local [hbm:s6], s20  }
0x9f: {  	_ =	swait.ge [sflag:s22], s20  }
0xa0: {  	s5 =	ssub.s32 $0x0, s20;
	[sflag:s22] =	ssyncset.done $0x0  }
0xa1: {  	[sflag:s22] =	ssyncadd.s32 s5;
	_ =	sdelay $0x1  }
0xa2: {  	s23 =	simm.s32 $0x1B8B  }
0xa3: {  	_ =	swait.ge [sflag:s23], $0x1  }
0xa4: {  	[sflag:s23] =	ssyncset.done $0x0  }
0xa5: {  	s25 =	simm.s32 $0x1B8E;
	s24 =	sld [smem:$0x3FFE];
	[sflag:s23] =	ssyncadd.s32 $0xFFFFFFFF  }
0xa6: {  	s26 =	simm.s32 $execute0_lowered;
	[smem:$0x3FD2] =	sst s25  }
0xa7: {  	s6 =	sshll.u32 s26, $0x1;
	_ =	strace $0x80000046;
	[dreg:$0x1] =	wrdreg $0xFFFFFFFF  }
0xa8: {  	s28 =	simm.s32 $_size_execute0_lowered;
	s4 =	sadd.s32 s4, s6;
	[dreg:$0x0] =	wrdreg $0x0  }
0xa9: {  	s6 =	sshll.u32 s28, $0x1;
	[dreg:$0x2] =	wrdreg s4  }
0xaa: {  	[dreg:$0x3] =	wrdreg s6  }
0xab: {  	[dreg:$0x4] =	wrdreg $0xC0  }
0xac: {  	_ =	task [dreg:s8], $0x5FFFF  }
0xad: {  	[dreg:$0x1] =	wrdreg $0xFFFFFFFF  }
0xae: {  	[dreg:$0x0] =	wrdreg $0x60  }
0xaf: {  	[dreg:$0x2] =	wrdreg s24  }
0xb0: {  	[dreg:$0x3] =	wrdreg s2  }
0xb1: {  	[dreg:$0x4] =	wrdreg s18  }
0xb2: {  	[dreg:$0x5] =	wrdreg $0x9  }
0xb3: {  	_ =	task.clear_ibuf [dreg:s8], $0x6FFFF;
	_ =	strace $0x90000046  }
0xb4: {  	s29 =	simm.s32 $0x9;
	_ =	strace $0x80000048  }
0xb5: {  	_ =	swait.ge [sflag:s29], $0x1  }
0xb6: {  	[sflag:s29] =	ssyncadd.s32 $0xFFFFFFFF  }
0xb7: {  	_ =	strace $0x90000048  }
0xb8: {  	_ =	sfence  }
0xb9: {  	s30 =	sld [smem:$0x0];
	_ =	sdelay $0x2  }
0xba: {  	s31 =	sshll.u32 s1, $0xD;
	s1 =	sshrl.u32 s1, $0x2  }
0xbb: {  	s3 =	sand.u32 $0x4000, s31;
	s1 =	sadd.s32 s1, s30  }
0xbc: {  	s0 =	sor.u32 s3, s0;
	s1 =	sshll.u32 s1, $0x11  }
0xbd: {  	s0 =	sor.u32 s1, s0  }
0xbe: {  	s0 =	sadd.s32 $0x8F2B, s0  }
0xbf: {  	[sflag:s0] =	ssyncadd.remote.s32 $0x1  }
0xc0: {  	_ =	sfence.sel $0xFFFF  }
0xc1: {  	[dreg:$0x0] =	wrdreg $0xFFFFFFFF;
	(pc) =	sbr.abs _section_cstart, $3  }
0xc2: {  	[dreg:$0x1] =	wrdreg $0xFFFFFFFF  }
0xc3: {  	_ =	task.clear_ibuf [dreg:s8], $0x2FFFF;
	_ =	strace $0x9FFFFFFF  }
0xc4: {  	(tm) =	ssettm $0x7FFFFFFF  }
0xc5: {  	_ =	shalt  }
tec
execute0_lowered:
.L_overlay_start_1:
0x0: {  	(tag) =	ssettag $0x1  }
0x1: {  	s4 =	rddreg [dreg:$0x0]  }
0x2: {  	s6 =	rddreg [dreg:$0x1]  }
0x3: {  	s2 =	rddreg [dreg:$0x2]  }
0x4: {  	s0 =	rddreg [dreg:$0x3]  }
0x5: {  	s5 =	srdreg.scid;
	s1 =	stileid.u32  }
0x6: {  	s3 =	simm.s32 $0x0;
	s10 =	simm.s32 $0x7D00;
	s11 =	simm.s32 $0xBD00  }
0x7: {  	s12 =	simm.s32 $0x40;
	s13 =	simm.s32 $0x100;
	s14 =	simm.s32 $0xFD00  }
0x8: {  	s15 =	simm.s32 $0x11D00;
	s16 =	simm.s32 $0x15D00;
	s17 =	simm.s32 $0x19D00  }
0x9: {  	s18 =	simm.s32 $0x1;
	s19 =	simm.s32 $0x1BD00;
	s20 =	simm.s32 $0x2  }
0xa: {  	s21 =	simm.s32 $0x3;
	s22 =	simm.s32 $0x1C100;
	s23 =	simm.s32 $0x0  }
0xb: {  	s5 =	sand.u32 $0x1, s5;
	s7 =	sshll.u32 s1, $0x1;
	[smem:$0x7FF] =	sst s3  }
0xc: {  	s4 =	sadd.s32 $0xF42A00, s4;
	s8 =	ssub.s32 $0x2, s5;
	s5 =	sor.u32 s5, s7  }
0xd: {  	_ =	strace $0x80000047;
	s31 =	sshrl.u32 s8, $0x1;
	s9 =	smul.u32 $0xFA0, s5  }
0xe: {  	s5 =	smul.u32 $0x19000, s5;
	s7 =	ssub.s32 s8, s31;
	s8 =	simm.s32 $0x4  }
0xf: {  	s6 =	sadd.s32 s6, s9;
	s7 =	smax.u32 s7, $0x1;
	s9 =	simm.s32 $0x80  }
.LBB2_1:
0x10: {  	[tilespmem:s3], [sflag:$0x4] =	stream.linear.gather [hbm4b:s6+s3], $0x7D00, $0x38;
	[tilespmem:$0x1C500] =	vst v63  }
0x11: {  	_ =	swait.ge [sflag:s8], $0x7D00  }
0x12: {  	[sflag:s8] =	ssyncset.done $0x0  }
0x13: {  	[sflag:s8] =	ssyncadd.s32 $0xFFFF8300  }
0x14: {  	[tilespmem:s10], [sflag:$0x1] =	stream.indirect.gather [hbm4b:s4+s9], $0x80, s3, s9, $0xb8;
	[tilespmem:$0x1C500] =	vst v63  }
0x15: {  	_ = 	snop  }
0x16: {  	[tilespmem:s11], [sflag:$0x1] =	stream.indirect.gather [hbm4b:s4+s9], $0x80, s9, s9, $0xb8;
	[tilespmem:$0x1C500] =	vst v63  }
0x17: {  	s24 =	simm.s32 $0x0  }
0x18: {  	[tilespmem:s14], [sflag:$0x1] =	stream.indirect.gather [hbm4b:s4+s12], $0x80, s13, s12, $0xb8;
	[tilespmem:$0x1C500] =	vst v63  }
.LBB2_2:
0x19: {  	s25 =	sshllo.u32 s24, $0x1  }
0x1a: {  	s26 =	smul.u32 $0x500, s25;
	_ =	sdelay $0x1  }
0x1b: {  	s26 =	sshra.s32 s26, $0x2  }
0x1c: {  	[tilespmem:s15], [sflag:$0x2] =	stream.indirect.gather [hbm4b:s4+s9], $0x80, s26, s9, $0xb8;
	[tilespmem:$0x1C500] =	vst v63  }
0x1d: {  	s28 =	sadd.s32 $0x80, s26  }
0x1e: {  	[tilespmem:s16], [sflag:$0x2] =	stream.indirect.gather [hbm4b:s4+s9], $0x80, s28, s9, $0xb8;
	[tilespmem:$0x1C500] =	vst v63  }
0x1f: {  	s26 =	sadd.s32 $0x100, s26  }
0x20: {  	[tilespmem:s17], [sflag:$0x2] =	stream.indirect.gather [hbm4b:s4+s12], $0x80, s26, s12, $0xb8;
	[tilespmem:$0x1C500] =	vst v63  }
0x21: {  	_ =	swait.ge [sflag:s18], $0xA000  }
0x22: {  	p0 =	seq.s32 s24, $0x0;
	[sflag:s18] =	ssyncset.done $0x0  }
0x23: {  	s26 =	simm.s32 @!p0 $0x3;
	[sflag:s18] =	ssyncadd.s32 $0xFFFF6000  }
0x24: {  	_ =	swait.ge @!p0 [sflag:s26], $0x400  }
0x25: {  	[sflag:s26] =	ssyncset.done @!p0 $0x0  }
0x26: {  	[sflag:s26] =	ssyncadd.s32 @!p0 $0xFFFFFC00;
	s26 =	simm.s32 $0x8200  }
0x27: {  	v0 =	vld [tilespmem:s26+$0xFFFFFB00]  }
0x28: {  	v1 =	vld [tilespmem:s26+$0xFFFFFC80]  }
0x29: {  	v2 =	vld [tilespmem:s26+$0xFFFFFC00]  }
0x2a: {  	v3 =	vld [tilespmem:s26+$0xFFFFFB80]  }
0x2b: {  	v4 =	vld [tilespmem:s26+$0xFFFFFD80]  }
0x2c: {  	v5 =	vld [tilespmem:s26+$0xFFFFFD00]  }
0x2d: {  	v6 =	vld [tilespmem:s26+$0xFFFFFE80]  }
0x2e: {  	v7 =	vld [tilespmem:s26+$0xFFFFFE00]  }
0x2f: {  	v1 =	vadd.f32 v1, v2;
	v0 =	vadd.f32 v3, v0;
	v2 =	vld [tilespmem:s26+$0xFFFFFF80]  }
0x30: {  	v3 =	vld [tilespmem:s26+$0xFFFFFF00]  }
0x31: {  	v1 =	vadd.f32 v4, v1;
	v0 =	vadd.f32 v5, v0;
	v4 =	vld [tilespmem:s26+$0x80]  }
0x32: {  	v5 =	vld [tilespmem:s26+$0x0]  }
0x33: {  	v1 =	vadd.f32 v6, v1;
	v0 =	vadd.f32 v7, v0;
	v6 =	vld [tilespmem:s26+$0x180]  }
0x34: {  	v7 =	vld [tilespmem:s26+$0x100]  }
0x35: {  	v1 =	vadd.f32 v2, v1;
	v0 =	vadd.f32 v3, v0;
	v2 =	vld [tilespmem:s26+$0x280]  }
0x36: {  	v3 =	vld [tilespmem:s26+$0x200]  }
0x37: {  	v1 =	vadd.f32 v4, v1;
	v0 =	vadd.f32 v5, v0;
	v4 =	vld [tilespmem:s26+$0x380]  }
0x38: {  	v5 =	vld [tilespmem:s26+$0x300]  }
0x39: {  	v1 =	vadd.f32 v6, v1;
	v0 =	vadd.f32 v7, v0;
	v6 =	vld [tilespmem:s26+$0x480]  }
0x3a: {  	v7 =	vld [tilespmem:s26+$0x400]  }
0x3b: {  	v1 =	vadd.f32 v2, v1;
	v0 =	vadd.f32 v3, v0;
	_ =	sdelay $0x1  }
0x3c: {  	v1 =	vadd.f32 v4, v1;
	v0 =	vadd.f32 v5, v0;
	_ =	sdelay $0x1  }
0x3d: {  	v0 =	vadd.f32 v7, v0;
	v1 =	vadd.f32 v6, v1;
	_ =	sdelay $0x1  }
0x3e: {  	v0 =	vadd.f32 v1, v0;
	_ =	sdelay $0x1  }
0x3f: {  	v0 =	vmul.f32 $5.000000070e-02, v0  }
0x40: {  	s28 =	simm.s32 $0x0  }
0x41: {  	[tilespmem:s28+$0x1BD00] =	vst v0  }
0x42: {  	v0 =	vld [tilespmem:s26+$0xFFFFFC10]  }
0x43: {  	v1 =	vld [tilespmem:s26+$0xFFFFFB10]  }
0x44: {  	v2 =	vld [tilespmem:s26+$0xFFFFFC90]  }
0x45: {  	v3 =	vld [tilespmem:s26+$0xFFFFFB90]  }
0x46: {  	v4 =	vld [tilespmem:s26+$0xFFFFFD90]  }
0x47: {  	v5 =	vld [tilespmem:s26+$0xFFFFFD10]  }
0x48: {  	v6 =	vld [tilespmem:s26+$0xFFFFFE90]  }
0x49: {  	v7 =	vld [tilespmem:s26+$0xFFFFFE10]  }
0x4a: {  	v0 =	vadd.f32 v2, v0;
	v1 =	vadd.f32 v3, v1;
	v2 =	vld [tilespmem:s26+$0xFFFFFF90]  }
0x4b: {  	v3 =	vld [tilespmem:s26+$0xFFFFFF10]  }
0x4c: {  	v0 =	vadd.f32 v4, v0;
	v1 =	vadd.f32 v5, v1;
	v4 =	vld [tilespmem:s26+$0x90]  }
0x4d: {  	v5 =	vld [tilespmem:s26+$0x10]  }
0x4e: {  	v0 =	vadd.f32 v6, v0;
	v1 =	vadd.f32 v7, v1;
	v6 =	vld [tilespmem:s26+$0x190]  }
0x4f: {  	v7 =	vld [tilespmem:s26+$0x110]  }
0x50: {  	v0 =	vadd.f32 v2, v0;
	v1 =	vadd.f32 v3, v1;
	v2 =	vld [tilespmem:s26+$0x290]  }
0x51: {  	v3 =	vld [tilespmem:s26+$0x210]  }
0x52: {  	v0 =	vadd.f32 v4, v0;
	v1 =	vadd.f32 v5, v1;
	v4 =	vld [tilespmem:s26+$0x390]  }
0x53: {  	v5 =	vld [tilespmem:s26+$0x310]  }
0x54: {  	v0 =	vadd.f32 v6, v0;
	v1 =	vadd.f32 v7, v1;
	v6 =	vld [tilespmem:s26+$0x490]  }
0x55: {  	v7 =	vld [tilespmem:s26+$0x410]  }
0x56: {  	v0 =	vadd.f32 v2, v0;
	v1 =	vadd.f32 v3, v1;
	_ =	sdelay $0x1  }
0x57: {  	v0 =	vadd.f32 v4, v0;
	v1 =	vadd.f32 v5, v1;
	_ =	sdelay $0x1  }
0x58: {  	v1 =	vadd.f32 v7, v1;
	v0 =	vadd.f32 v6, v0;
	_ =	sdelay $0x1  }
0x59: {  	v0 =	vadd.f32 v0, v1;
	_ =	sdelay $0x1  }
0x5a: {  	v0 =	vmul.f32 $5.000000070e-02, v0;
	_ =	sdelay $0x1  }
0x5b: {  	[tilespmem:s28+$0x1BD10] =	vst v0  }
0x5c: {  	v0 =	vld [tilespmem:s26+$0xFFFFFB20]  }
0x5d: {  	v1 =	vld [tilespmem:s26+$0xFFFFFCA0]  }
0x5e: {  	v2 =	vld [tilespmem:s26+$0xFFFFFBA0]  }
0x5f: {  	v3 =	vld [tilespmem:s26+$0xFFFFFC20]  }
0x60: {  	v4 =	vld [tilespmem:s26+$0xFFFFFD20]  }
0x61: {  	v5 =	vld [tilespmem:s26+$0xFFFFFDA0]  }
0x62: {  	v6 =	vld [tilespmem:s26+$0xFFFFFE20]  }
0x63: {  	v7 =	vld [tilespmem:s26+$0xFFFFFEA0]  }
0x64: {  	v0 =	vadd.f32 v2, v0;
	v1 =	vadd.f32 v1, v3;
	v2 =	vld [tilespmem:s26+$0xFFFFFF20]  }
0x65: {  	v3 =	vld [tilespmem:s26+$0xFFFFFFA0]  }
0x66: {  	v0 =	vadd.f32 v4, v0;
	v1 =	vadd.f32 v5, v1;
	v4 =	vld [tilespmem:s26+$0x20]  }
0x67: {  	v5 =	vld [tilespmem:s26+$0xA0]  }
0x68: {  	v0 =	vadd.f32 v6, v0;
	v1 =	vadd.f32 v7, v1;
	v6 =	vld [tilespmem:s26+$0x120]  }
0x69: {  	v7 =	vld [tilespmem:s26+$0x1A0]  }
0x6a: {  	v0 =	vadd.f32 v2, v0;
	v1 =	vadd.f32 v3, v1;
	v2 =	vld [tilespmem:s26+$0x220]  }
0x6b: {  	v3 =	vld [tilespmem:s26+$0x2A0]  }
0x6c: {  	v0 =	vadd.f32 v4, v0;
	v1 =	vadd.f32 v5, v1;
	v4 =	vld [tilespmem:s26+$0x320]  }
0x6d: {  	v5 =	vld [tilespmem:s26+$0x3A0]  }
0x6e: {  	v0 =	vadd.f32 v6, v0;
	v1 =	vadd.f32 v7, v1;
	v6 =	vld [tilespmem:s26+$0x4A0]  }
0x6f: {  	v7 =	vld [tilespmem:s26+$0x420]  }
0x70: {  	v0 =	vadd.f32 v2, v0;
	v1 =	vadd.f32 v3, v1;
	_ =	sdelay $0x1  }
0x71: {  	v0 =	vadd.f32 v4, v0;
	v1 =	vadd.f32 v5, v1;
	_ =	sdelay $0x1  }
0x72: {  	v0 =	vadd.f32 v7, v0;
	v1 =	vadd.f32 v6, v1;
	_ =	sdelay $0x1  }
0x73: {  	v0 =	vadd.f32 v1, v0;
	_ =	sdelay $0x1  }
0x74: {  	v0 =	vmul.f32 $5.000000070e-02, v0;
	_ =	sdelay $0x1  }
0x75: {  	[tilespmem:s28+$0x1BD20] =	vst v0  }
0x76: {  	v0 =	vld [tilespmem:s26+$0xFFFFFD30]  }
0x77: {  	v1 =	vld [tilespmem:s26+$0xFFFFFB30]  }
0x78: {  	v2 =	vld [tilespmem:s26+$0xFFFFFBB0]  }
0x79: {  	v3 =	vld [tilespmem:s26+$0xFFFFFCB0]  }
0x7a: {  	v4 =	vld [tilespmem:s26+$0xFFFFFC30]  }
0x7b: {  	v5 =	vld [tilespmem:s26+$0xFFFFFDB0]  }
0x7c: {  	v6 =	vld [tilespmem:s26+$0xFFFFFE30]  }
0x7d: {  	v7 =	vld [tilespmem:s26+$0xFFFFFEB0];
	v1 =	vadd.f32 v2, v1  }
0x7e: {  	v2 =	vld [tilespmem:s26+$0xFFFFFF30]  }
0x7f: {  	v8 =	vld [tilespmem:s26+$0x30];
	v3 =	vadd.f32 v3, v4;
	v0 =	vadd.f32 v0, v1  }
0x80: {  	v4 =	vld [tilespmem:s26+$0xFFFFFFB0]  }
0x81: {  	v1 =	vadd.f32 v5, v3;
	v3 =	vld [tilespmem:s26+$0xB0];
	v0 =	vadd.f32 v6, v0  }
0x82: {  	v5 =	vld [tilespmem:s26+$0x130]  }
0x83: {  	v1 =	vadd.f32 v7, v1;
	v6 =	vld [tilespmem:s26+$0x1B0];
	v0 =	vadd.f32 v2, v0  }
0x84: {  	v7 =	vld [tilespmem:s26+$0x230]  }
0x85: {  	v2 =	vadd.f32 v4, v1;
	v1 =	vld [tilespmem:s26+$0x2B0];
	v4 =	vadd.f32 v8, v0  }
0x86: {  	v0 =	vld [tilespmem:s26+$0x330]  }
0x87: {  	v8 =	vadd.f32 v3, v2;
	v2 =	vld [tilespmem:s26+$0x3B0];
	v5 =	vadd.f32 v5, v4  }
0x88: {  	v3 =	vld [tilespmem:s26+$0x430]  }
0x89: {  	s29 =	simm.s32 $0x100;
	v6 =	vadd.f32 v6, v8;
	v4 =	vld [tilespmem:s26+$0x4B0];
	v5 =	vadd.f32 v7, v5  }
.LBB2_3:
0x8a: {  	p1 =	sne.s32 s29, $0xF00  }
0x8b: {  	v1 =	vadd.f32 v1, v6;
	s26 =	sadd.s32 $0xA00, s26;
	s30 =	smov.u32 s29;
	s29 =	sadd.s32 $0x100, s29  }
0x8c: {  	v0 =	vadd.f32 v0, v5  }
0x8d: {  	v1 =	vadd.f32 v2, v1  }
0x8e: {  	v0 =	vadd.f32 v3, v0  }
0x8f: {  	v1 =	vadd.f32 v4, v1;
	_ =	sdelay $0x1  }
0x90: {  	v0 =	vadd.f32 v1, v0;
	_ =	sdelay $0x1  }
0x91: {  	v0 =	vmul.f32 $5.000000070e-02, v0;
	_ =	sdelay $0x1  }
0x92: {  	[tilespmem:s28+$0x1BD30] =	vst v0  }
0x93: {  	v0 =	vld [tilespmem:s26+$0xFFFFFB00]  }
0x94: {  	v1 =	vld [tilespmem:s26+$0xFFFFFC80]  }
0x95: {  	v2 =	vld [tilespmem:s26+$0xFFFFFC00]  }
0x96: {  	v3 =	vld [tilespmem:s26+$0xFFFFFB80]  }
0x97: {  	v4 =	vld [tilespmem:s26+$0xFFFFFD80]  }
0x98: {  	v5 =	vld [tilespmem:s26+$0xFFFFFD00]  }
0x99: {  	v6 =	vld [tilespmem:s26+$0xFFFFFE80]  }
0x9a: {  	v1 =	vadd.f32 v1, v2;
	v2 =	vld [tilespmem:s26+$0xFFFFFE00]  }
0x9b: {  	v0 =	vadd.f32 v3, v0;
	v3 =	vld [tilespmem:s26+$0xFFFFFF80]  }
0x9c: {  	v1 =	vadd.f32 v4, v1;
	v4 =	vld [tilespmem:s26+$0xFFFFFF00]  }
0x9d: {  	v0 =	vadd.f32 v5, v0;
	v5 =	vld [tilespmem:s26+$0x80]  }
0x9e: {  	v1 =	vadd.f32 v6, v1;
	v6 =	vld [tilespmem:s26+$0x0]  }
0x9f: {  	v0 =	vadd.f32 v2, v0;
	v2 =	vld [tilespmem:s26+$0x180]  }
0xa0: {  	v1 =	vadd.f32 v3, v1;
	v3 =	vld [tilespmem:s26+$0x100]  }
0xa1: {  	v0 =	vadd.f32 v4, v0;
	v4 =	vld [tilespmem:s26+$0x280]  }
0xa2: {  	v1 =	vadd.f32 v5, v1;
	v5 =	vld [tilespmem:s26+$0x200]  }
0xa3: {  	v0 =	vadd.f32 v6, v0;
	v6 =	vld [tilespmem:s26+$0x380]  }
0xa4: {  	v1 =	vadd.f32 v2, v1;
	v2 =	vld [tilespmem:s26+$0x300]  }
0xa5: {  	v0 =	vadd.f32 v3, v0;
	v3 =	vld [tilespmem:s26+$0x480]  }
0xa6: {  	v1 =	vadd.f32 v4, v1;
	v4 =	vld [tilespmem:s26+$0x400]  }
0xa7: {  	v0 =	vadd.f32 v5, v0  }
0xa8: {  	v1 =	vadd.f32 v6, v1  }
0xa9: {  	v0 =	vadd.f32 v2, v0;
	_ =	sdelay $0x1  }
0xaa: {  	v1 =	vadd.f32 v3, v1;
	v0 =	vadd.f32 v4, v0;
	_ =	sdelay $0x1  }
0xab: {  	v0 =	vadd.f32 v1, v0;
	_ =	sdelay $0x1  }
0xac: {  	v0 =	vmul.f32 $5.000000070e-02, v0  }
0xad: {  	s28 =	sshra.s32 s30, $0x2  }
0xae: {  	[tilespmem:s28+$0x1BD00] =	vst v0  }
0xaf: {  	v0 =	vld [tilespmem:s26+$0xFFFFFC10]  }
0xb0: {  	v1 =	vld [tilespmem:s26+$0xFFFFFB10]  }
0xb1: {  	v2 =	vld [tilespmem:s26+$0xFFFFFC90]  }
0xb2: {  	v3 =	vld [tilespmem:s26+$0xFFFFFB90]  }
0xb3: {  	v4 =	vld [tilespmem:s26+$0xFFFFFD90]  }
0xb4: {  	v5 =	vld [tilespmem:s26+$0xFFFFFD10]  }
0xb5: {  	v6 =	vld [tilespmem:s26+$0xFFFFFE90]  }
0xb6: {  	v0 =	vadd.f32 v2, v0;
	v2 =	vld [tilespmem:s26+$0xFFFFFE10]  }
0xb7: {  	v1 =	vadd.f32 v3, v1;
	v3 =	vld [tilespmem:s26+$0xFFFFFF90]  }
0xb8: {  	v0 =	vadd.f32 v4, v0;
	v4 =	vld [tilespmem:s26+$0xFFFFFF10]  }
0xb9: {  	v1 =	vadd.f32 v5, v1;
	v5 =	vld [tilespmem:s26+$0x90]  }
0xba: {  	v0 =	vadd.f32 v6, v0;
	v6 =	vld [tilespmem:s26+$0x10]  }
0xbb: {  	v1 =	vadd.f32 v2, v1;
	v2 =	vld [tilespmem:s26+$0x190]  }
0xbc: {  	v0 =	vadd.f32 v3, v0;
	v3 =	vld [tilespmem:s26+$0x110]  }
0xbd: {  	v1 =	vadd.f32 v4, v1;
	v4 =	vld [tilespmem:s26+$0x290]  }
0xbe: {  	v0 =	vadd.f32 v5, v0;
	v5 =	vld [tilespmem:s26+$0x210]  }
0xbf: {  	v1 =	vadd.f32 v6, v1;
	v6 =	vld [tilespmem:s26+$0x390]  }
0xc0: {  	v0 =	vadd.f32 v2, v0;
	v2 =	vld [tilespmem:s26+$0x310]  }
0xc1: {  	v1 =	vadd.f32 v3, v1;
	v3 =	vld [tilespmem:s26+$0x490]  }
0xc2: {  	v0 =	vadd.f32 v4, v0;
	v4 =	vld [tilespmem:s26+$0x410]  }
0xc3: {  	v1 =	vadd.f32 v5, v1  }
0xc4: {  	v0 =	vadd.f32 v6, v0  }
0xc5: {  	v1 =	vadd.f32 v2, v1;
	_ =	sdelay $0x1  }
0xc6: {  	v0 =	vadd.f32 v3, v0;
	v1 =	vadd.f32 v4, v1;
	_ =	sdelay $0x1  }
0xc7: {  	v0 =	vadd.f32 v0, v1;
	_ =	sdelay $0x1  }
0xc8: {  	v0 =	vmul.f32 $5.000000070e-02, v0;
	_ =	sdelay $0x1  }
0xc9: {  	[tilespmem:s28+$0x1BD10] =	vst v0  }
0xca: {  	v0 =	vld [tilespmem:s26+$0xFFFFFB20]  }
0xcb: {  	v1 =	vld [tilespmem:s26+$0xFFFFFCA0]  }
0xcc: {  	v2 =	vld [tilespmem:s26+$0xFFFFFBA0]  }
0xcd: {  	v3 =	vld [tilespmem:s26+$0xFFFFFC20]  }
0xce: {  	v4 =	vld [tilespmem:s26+$0xFFFFFD20]  }
0xcf: {  	v5 =	vld [tilespmem:s26+$0xFFFFFDA0]  }
0xd0: {  	v6 =	vld [tilespmem:s26+$0xFFFFFE20]  }
0xd1: {  	v0 =	vadd.f32 v2, v0;
	v2 =	vld [tilespmem:s26+$0xFFFFFEA0]  }
0xd2: {  	v1 =	vadd.f32 v1, v3;
	v3 =	vld [tilespmem:s26+$0xFFFFFF20]  }
0xd3: {  	v0 =	vadd.f32 v4, v0;
	v4 =	vld [tilespmem:s26+$0xFFFFFFA0]  }
0xd4: {  	v1 =	vadd.f32 v5, v1;
	v5 =	vld [tilespmem:s26+$0x20]  }
0xd5: {  	v0 =	vadd.f32 v6, v0;
	v6 =	vld [tilespmem:s26+$0xA0]  }
0xd6: {  	v1 =	vadd.f32 v2, v1;
	v2 =	vld [tilespmem:s26+$0x120]  }
0xd7: {  	v0 =	vadd.f32 v3, v0;
	v3 =	vld [tilespmem:s26+$0x1A0]  }
0xd8: {  	v1 =	vadd.f32 v4, v1;
	v4 =	vld [tilespmem:s26+$0x220]  }
0xd9: {  	v0 =	vadd.f32 v5, v0;
	v5 =	vld [tilespmem:s26+$0x2A0]  }
0xda: {  	v1 =	vadd.f32 v6, v1;
	v6 =	vld [tilespmem:s26+$0x320]  }
0xdb: {  	v0 =	vadd.f32 v2, v0;
	v2 =	vld [tilespmem:s26+$0x3A0]  }
0xdc: {  	v1 =	vadd.f32 v3, v1;
	v3 =	vld [tilespmem:s26+$0x4A0]  }
0xdd: {  	v0 =	vadd.f32 v4, v0;
	v4 =	vld [tilespmem:s26+$0x420]  }
0xde: {  	v1 =	vadd.f32 v5, v1  }
0xdf: {  	v0 =	vadd.f32 v6, v0  }
0xe0: {  	v1 =	vadd.f32 v2, v1;
	_ =	sdelay $0x1  }
0xe1: {  	v0 =	vadd.f32 v4, v0;
	v1 =	vadd.f32 v3, v1;
	_ =	sdelay $0x1  }
0xe2: {  	v0 =	vadd.f32 v1, v0;
	_ =	sdelay $0x1  }
0xe3: {  	v0 =	vmul.f32 $5.000000070e-02, v0;
	_ =	sdelay $0x1  }
0xe4: {  	[tilespmem:s28+$0x1BD20] =	vst v0  }
0xe5: {  	v0 =	vld [tilespmem:s26+$0xFFFFFD30]  }
0xe6: {  	v1 =	vld [tilespmem:s26+$0xFFFFFB30]  }
0xe7: {  	v2 =	vld [tilespmem:s26+$0xFFFFFCB0]  }
0xe8: {  	v3 =	vld [tilespmem:s26+$0xFFFFFBB0]  }
0xe9: {  	v4 =	vld [tilespmem:s26+$0xFFFFFC30]  }
0xea: {  	v5 =	vld [tilespmem:s26+$0xFFFFFDB0]  }
0xeb: {  	v6 =	vld [tilespmem:s26+$0xFFFFFE30]  }
0xec: {  	v7 =	vld [tilespmem:s26+$0xFFFFFEB0]  }
0xed: {  	v1 =	vadd.f32 v3, v1;
	v3 =	vld [tilespmem:s26+$0xFFFFFF30]  }
0xee: {  	v2 =	vadd.f32 v2, v4;
	v4 =	vld [tilespmem:s26+$0xFFFFFFB0]  }
0xef: {  	v0 =	vadd.f32 v0, v1;
	v8 =	vld [tilespmem:s26+$0x30]  }
0xf0: {  	v1 =	vadd.f32 v5, v2;
	v2 =	vld [tilespmem:s26+$0xB0]  }
0xf1: {  	v0 =	vadd.f32 v6, v0;
	v5 =	vld [tilespmem:s26+$0x130]  }
0xf2: {  	v1 =	vadd.f32 v7, v1;
	v6 =	vld [tilespmem:s26+$0x1B0]  }
0xf3: {  	v0 =	vadd.f32 v3, v0;
	v7 =	vld [tilespmem:s26+$0x230]  }
0xf4: {  	v3 =	vadd.f32 v4, v1;
	v1 =	vld [tilespmem:s26+$0x2B0]  }
.Ltmp0:
0xf5: {  	v4 =	vadd.f32 v8, v0;
	v0 =	vld [tilespmem:s26+$0x330];
	(pc) =	sbr.rel @p1 .LBB2_3-.Ltmp0, $4  }
0xf6: {  	v8 =	vadd.f32 v2, v3;
	v2 =	vld [tilespmem:s26+$0x3B0]  }
0xf7: {  	v5 =	vadd.f32 v5, v4;
	v3 =	vld [tilespmem:s26+$0x430]  }
0xf8: {  	v6 =	vadd.f32 v6, v8;
	v4 =	vld [tilespmem:s26+$0x4B0]  }
0xf9: {  	v5 =	vadd.f32 v7, v5  }
0xfa: {  	v1 =	vadd.f32 v1, v6;
	_ =	sdelay $0x1  }
0xfb: {  	v0 =	vadd.f32 v0, v5;
	v1 =	vadd.f32 v2, v1;
	_ =	sdelay $0x1  }
0xfc: {  	v0 =	vadd.f32 v3, v0;
	v1 =	vadd.f32 v4, v1;
	_ =	sdelay $0x1  }
0xfd: {  	p1 =	sne.s32 s24, $0x31;
	v0 =	vadd.f32 v1, v0  }
.Ltmp1:
0xfe: {  	s26 =	sshll.u32 s24, $0xB;
	(pc) =	sbr.rel @p1 .LBB2_6-.Ltmp1, $4  }
0xff: {  	s26 =	sadd.s32 s5, s26;
	v0 =	vmul.f32 $5.000000070e-02, v0  }
0x100: {  	s26 =	sshrl.u32 s26, $0x3  }
0x101: {  	s26 =	sadd.s32 s2, s26;
	[tilespmem:s28+$0x1BD30] =	vst v0  }
0x102: {  	[hbm4b:s26+s3] =	stream.linear.scatter [tilespmem:s19], [sflag:$0x3], $0x400, $0x38;
	[tilespmem:$0x1C500] =	vst v63  }
.Ltmp2:
0x103: {  	(pc) =	sbr.rel .LBB2_7-.Ltmp2, $4  }
0x104: {  	_ = 	snop  }
0x105: {  	_ =	swait.ge [sflag:s20], $0xA000  }
0x106: {  	[sflag:s20] =	ssyncset.done $0x0  }
0x107: {  	[sflag:s20] =	ssyncadd.s32 $0xFFFF6000  }
.LBB2_6:
0x108: {  	s26 =	smul.u32 $0xA00, s24;
	_ =	sdelay $0x1  }
0x109: {  	s26 =	sshra.s32 s26, $0x2  }
0x10a: {  	s28 =	sadd.s32 $0x280, s26  }
0x10b: {  	[tilespmem:s10], [sflag:$0x1] =	stream.indirect.gather [hbm4b:s4+s9], $0x80, s28, s9, $0xb8;
	[tilespmem:$0x1C500] =	vst v63  }
0x10c: {  	s31 =	sadd.s32 $0x300, s26  }
0x10d: {  	[tilespmem:s11], [sflag:$0x1] =	stream.indirect.gather [hbm4b:s4+s9], $0x80, s31, s9, $0xb8;
	[tilespmem:$0x1C500] =	vst v63  }
.Ltmp3:
0x10e: {  	s26 =	sadd.s32 $0x380, s26;
	(pc) =	sbr.rel @p0 .LBB2_8-.Ltmp3, $4  }
0x10f: {  	[tilespmem:s14], [sflag:$0x1] =	stream.indirect.gather [hbm4b:s4+s12], $0x80, s26, s12, $0xb8;
	[tilespmem:$0x1C500] =	vst v63  }
0x110: {  	_ =	swait.ge [sflag:s20], $0xA000  }
0x111: {  	[sflag:s20] =	ssyncset.done $0x0  }
0x112: {  	[sflag:s20] =	ssyncadd.s32 $0xFFFF6000  }
.LBB2_7:
0x113: {  	_ =	swait.ge [sflag:s21], $0x400  }
0x114: {  	[sflag:s21] =	ssyncset.done $0x0  }
0x115: {  	[sflag:s21] =	ssyncadd.s32 $0xFFFFFC00  }
.LBB2_8:
0x116: {  	s26 =	simm.s32 $0x12200  }
0x117: {  	v0 =	vld [tilespmem:s26+$0xFFFFFB00]  }
0x118: {  	v1 =	vld [tilespmem:s26+$0xFFFFFC80]  }
0x119: {  	v2 =	vld [tilespmem:s26+$0xFFFFFC00]  }
0x11a: {  	v3 =	vld [tilespmem:s26+$0xFFFFFB80]  }
0x11b: {  	v4 =	vld [tilespmem:s26+$0xFFFFFD80]  }
0x11c: {  	v5 =	vld [tilespmem:s26+$0xFFFFFD00]  }
0x11d: {  	v6 =	vld [tilespmem:s26+$0xFFFFFE80]  }
0x11e: {  	v7 =	vld [tilespmem:s26+$0xFFFFFE00]  }
0x11f: {  	v1 =	vadd.f32 v1, v2;
	v0 =	vadd.f32 v3, v0;
	v2 =	vld [tilespmem:s26+$0xFFFFFF80]  }
0x120: {  	v3 =	vld [tilespmem:s26+$0xFFFFFF00]  }
0x121: {  	v1 =	vadd.f32 v4, v1;
	v0 =	vadd.f32 v5, v0;
	v4 =	vld [tilespmem:s26+$0x80]  }
0x122: {  	v5 =	vld [tilespmem:s26+$0x0]  }
0x123: {  	v1 =	vadd.f32 v6, v1;
	v0 =	vadd.f32 v7, v0;
	v6 =	vld [tilespmem:s26+$0x180]  }
0x124: {  	v7 =	vld [tilespmem:s26+$0x100]  }
0x125: {  	v1 =	vadd.f32 v2, v1;
	v0 =	vadd.f32 v3, v0;
	v2 =	vld [tilespmem:s26+$0x280]  }
0x126: {  	v3 =	vld [tilespmem:s26+$0x200]  }
0x127: {  	v1 =	vadd.f32 v4, v1;
	v0 =	vadd.f32 v5, v0;
	v4 =	vld [tilespmem:s26+$0x380]  }
0x128: {  	v5 =	vld [tilespmem:s26+$0x300]  }
0x129: {  	v1 =	vadd.f32 v6, v1;
	v0 =	vadd.f32 v7, v0;
	v6 =	vld [tilespmem:s26+$0x480]  }
0x12a: {  	v7 =	vld [tilespmem:s26+$0x400]  }
0x12b: {  	v1 =	vadd.f32 v2, v1;
	v0 =	vadd.f32 v3, v0;
	_ =	sdelay $0x1  }
0x12c: {  	v1 =	vadd.f32 v4, v1;
	v0 =	vadd.f32 v5, v0;
	_ =	sdelay $0x1  }
0x12d: {  	v0 =	vadd.f32 v7, v0;
	v1 =	vadd.f32 v6, v1;
	_ =	sdelay $0x1  }
0x12e: {  	v0 =	vadd.f32 v1, v0;
	_ =	sdelay $0x1  }
0x12f: {  	v0 =	vmul.f32 $5.000000070e-02, v0  }
0x130: {  	s28 =	simm.s32 $0x0  }
0x131: {  	[tilespmem:s28+$0x1C100] =	vst v0  }
0x132: {  	v0 =	vld [tilespmem:s26+$0xFFFFFC10]  }
0x133: {  	v1 =	vld [tilespmem:s26+$0xFFFFFB10]  }
0x134: {  	v2 =	vld [tilespmem:s26+$0xFFFFFC90]  }
0x135: {  	v3 =	vld [tilespmem:s26+$0xFFFFFB90]  }
0x136: {  	v4 =	vld [tilespmem:s26+$0xFFFFFD90]  }
0x137: {  	v5 =	vld [tilespmem:s26+$0xFFFFFD10]  }
0x138: {  	v6 =	vld [tilespmem:s26+$0xFFFFFE90]  }
0x139: {  	v7 =	vld [tilespmem:s26+$0xFFFFFE10]  }
0x13a: {  	v0 =	vadd.f32 v2, v0;
	v1 =	vadd.f32 v3, v1;
	v2 =	vld [tilespmem:s26+$0xFFFFFF90]  }
0x13b: {  	v3 =	vld [tilespmem:s26+$0xFFFFFF10]  }
0x13c: {  	v0 =	vadd.f32 v4, v0;
	v1 =	vadd.f32 v5, v1;
	v4 =	vld [tilespmem:s26+$0x90]  }
0x13d: {  	v5 =	vld [tilespmem:s26+$0x10]  }
0x13e: {  	v0 =	vadd.f32 v6, v0;
	v1 =	vadd.f32 v7, v1;
	v6 =	vld [tilespmem:s26+$0x190]  }
0x13f: {  	v7 =	vld [tilespmem:s26+$0x110]  }
0x140: {  	v0 =	vadd.f32 v2, v0;
	v1 =	vadd.f32 v3, v1;
	v2 =	vld [tilespmem:s26+$0x290]  }
0x141: {  	v3 =	vld [tilespmem:s26+$0x210]  }
0x142: {  	v0 =	vadd.f32 v4, v0;
	v1 =	vadd.f32 v5, v1;
	v4 =	vld [tilespmem:s26+$0x390]  }
0x143: {  	v5 =	vld [tilespmem:s26+$0x310]  }
0x144: {  	v0 =	vadd.f32 v6, v0;
	v1 =	vadd.f32 v7, v1;
	v6 =	vld [tilespmem:s26+$0x490]  }
0x145: {  	v7 =	vld [tilespmem:s26+$0x410]  }
0x146: {  	v0 =	vadd.f32 v2, v0;
	v1 =	vadd.f32 v3, v1;
	_ =	sdelay $0x1  }
0x147: {  	v0 =	vadd.f32 v4, v0;
	v1 =	vadd.f32 v5, v1;
	_ =	sdelay $0x1  }
0x148: {  	v1 =	vadd.f32 v7, v1;
	v0 =	vadd.f32 v6, v0;
	_ =	sdelay $0x1  }
0x149: {  	v0 =	vadd.f32 v0, v1;
	_ =	sdelay $0x1  }
0x14a: {  	v0 =	vmul.f32 $5.000000070e-02, v0;
	_ =	sdelay $0x1  }
0x14b: {  	[tilespmem:s28+$0x1C110] =	vst v0  }
0x14c: {  	v0 =	vld [tilespmem:s26+$0xFFFFFB20]  }
0x14d: {  	v1 =	vld [tilespmem:s26+$0xFFFFFCA0]  }
0x14e: {  	v2 =	vld [tilespmem:s26+$0xFFFFFBA0]  }
0x14f: {  	v3 =	vld [tilespmem:s26+$0xFFFFFC20]  }
0x150: {  	v4 =	vld [tilespmem:s26+$0xFFFFFD20]  }
0x151: {  	v5 =	vld [tilespmem:s26+$0xFFFFFDA0]  }
0x152: {  	v6 =	vld [tilespmem:s26+$0xFFFFFE20]  }
0x153: {  	v7 =	vld [tilespmem:s26+$0xFFFFFEA0]  }
0x154: {  	v0 =	vadd.f32 v2, v0;
	v1 =	vadd.f32 v1, v3;
	v2 =	vld [tilespmem:s26+$0xFFFFFF20]  }
0x155: {  	v3 =	vld [tilespmem:s26+$0xFFFFFFA0]  }
0x156: {  	v0 =	vadd.f32 v4, v0;
	v1 =	vadd.f32 v5, v1;
	v4 =	vld [tilespmem:s26+$0x20]  }
0x157: {  	v5 =	vld [tilespmem:s26+$0xA0]  }
0x158: {  	v0 =	vadd.f32 v6, v0;
	v1 =	vadd.f32 v7, v1;
	v6 =	vld [tilespmem:s26+$0x120]  }
0x159: {  	v7 =	vld [tilespmem:s26+$0x1A0]  }
0x15a: {  	v0 =	vadd.f32 v2, v0;
	v1 =	vadd.f32 v3, v1;
	v2 =	vld [tilespmem:s26+$0x220]  }
0x15b: {  	v3 =	vld [tilespmem:s26+$0x2A0]  }
0x15c: {  	v0 =	vadd.f32 v4, v0;
	v1 =	vadd.f32 v5, v1;
	v4 =	vld [tilespmem:s26+$0x320]  }
0x15d: {  	v5 =	vld [tilespmem:s26+$0x3A0]  }
0x15e: {  	v0 =	vadd.f32 v6, v0;
	v1 =	vadd.f32 v7, v1;
	v6 =	vld [tilespmem:s26+$0x4A0]  }
0x15f: {  	v7 =	vld [tilespmem:s26+$0x420]  }
0x160: {  	v0 =	vadd.f32 v2, v0;
	v1 =	vadd.f32 v3, v1;
	_ =	sdelay $0x1  }
0x161: {  	v0 =	vadd.f32 v4, v0;
	v1 =	vadd.f32 v5, v1;
	_ =	sdelay $0x1  }
0x162: {  	v0 =	vadd.f32 v7, v0;
	v1 =	vadd.f32 v6, v1;
	_ =	sdelay $0x1  }
0x163: {  	v0 =	vadd.f32 v1, v0;
	_ =	sdelay $0x1  }
0x164: {  	v0 =	vmul.f32 $5.000000070e-02, v0;
	_ =	sdelay $0x1  }
0x165: {  	[tilespmem:s28+$0x1C120] =	vst v0  }
0x166: {  	v0 =	vld [tilespmem:s26+$0xFFFFFD30]  }
0x167: {  	v1 =	vld [tilespmem:s26+$0xFFFFFB30]  }
0x168: {  	v2 =	vld [tilespmem:s26+$0xFFFFFBB0]  }
0x169: {  	v3 =	vld [tilespmem:s26+$0xFFFFFCB0]  }
0x16a: {  	v4 =	vld [tilespmem:s26+$0xFFFFFC30]  }
0x16b: {  	v5 =	vld [tilespmem:s26+$0xFFFFFDB0]  }
0x16c: {  	v6 =	vld [tilespmem:s26+$0xFFFFFE30]  }
0x16d: {  	v7 =	vld [tilespmem:s26+$0xFFFFFEB0];
	v1 =	vadd.f32 v2, v1  }
0x16e: {  	v2 =	vld [tilespmem:s26+$0xFFFFFF30]  }
0x16f: {  	v8 =	vld [tilespmem:s26+$0x30];
	v3 =	vadd.f32 v3, v4;
	v0 =	vadd.f32 v0, v1  }
0x170: {  	v4 =	vld [tilespmem:s26+$0xFFFFFFB0]  }
0x171: {  	v1 =	vadd.f32 v5, v3;
	v3 =	vld [tilespmem:s26+$0xB0];
	v0 =	vadd.f32 v6, v0  }
0x172: {  	v5 =	vld [tilespmem:s26+$0x130]  }
0x173: {  	v1 =	vadd.f32 v7, v1;
	v6 =	vld [tilespmem:s26+$0x1B0];
	v0 =	vadd.f32 v2, v0  }
0x174: {  	v7 =	vld [tilespmem:s26+$0x230]  }
0x175: {  	v2 =	vadd.f32 v4, v1;
	v1 =	vld [tilespmem:s26+$0x2B0];
	v4 =	vadd.f32 v8, v0  }
0x176: {  	v0 =	vld [tilespmem:s26+$0x330]  }
0x177: {  	v8 =	vadd.f32 v3, v2;
	v2 =	vld [tilespmem:s26+$0x3B0];
	v5 =	vadd.f32 v5, v4  }
0x178: {  	v3 =	vld [tilespmem:s26+$0x430]  }
0x179: {  	s29 =	simm.s32 $0x100;
	v6 =	vadd.f32 v6, v8;
	v4 =	vld [tilespmem:s26+$0x4B0];
	v5 =	vadd.f32 v7, v5  }
.LBB2_9:
0x17a: {  	p0 =	sne.s32 s29, $0xF00  }
0x17b: {  	v1 =	vadd.f32 v1, v6;
	s26 =	sadd.s32 $0xA00, s26;
	s30 =	smov.u32 s29;
	s29 =	sadd.s32 $0x100, s29  }
0x17c: {  	v0 =	vadd.f32 v0, v5  }
0x17d: {  	v1 =	vadd.f32 v2, v1  }
0x17e: {  	v0 =	vadd.f32 v3, v0  }
0x17f: {  	v1 =	vadd.f32 v4, v1;
	_ =	sdelay $0x1  }
0x180: {  	v0 =	vadd.f32 v1, v0;
	_ =	sdelay $0x1  }
0x181: {  	v0 =	vmul.f32 $5.000000070e-02, v0;
	_ =	sdelay $0x1  }
0x182: {  	[tilespmem:s28+$0x1C130] =	vst v0  }
0x183: {  	v0 =	vld [tilespmem:s26+$0xFFFFFB00]  }
0x184: {  	v1 =	vld [tilespmem:s26+$0xFFFFFC80]  }
0x185: {  	v2 =	vld [tilespmem:s26+$0xFFFFFC00]  }
0x186: {  	v3 =	vld [tilespmem:s26+$0xFFFFFB80]  }
0x187: {  	v4 =	vld [tilespmem:s26+$0xFFFFFD80]  }
0x188: {  	v5 =	vld [tilespmem:s26+$0xFFFFFD00]  }
0x189: {  	v6 =	vld [tilespmem:s26+$0xFFFFFE80]  }
0x18a: {  	v1 =	vadd.f32 v1, v2;
	v2 =	vld [tilespmem:s26+$0xFFFFFE00]  }
0x18b: {  	v0 =	vadd.f32 v3, v0;
	v3 =	vld [tilespmem:s26+$0xFFFFFF80]  }
0x18c: {  	v1 =	vadd.f32 v4, v1;
	v4 =	vld [tilespmem:s26+$0xFFFFFF00]  }
0x18d: {  	v0 =	vadd.f32 v5, v0;
	v5 =	vld [tilespmem:s26+$0x80]  }
0x18e: {  	v1 =	vadd.f32 v6, v1;
	v6 =	vld [tilespmem:s26+$0x0]  }
0x18f: {  	v0 =	vadd.f32 v2, v0;
	v2 =	vld [tilespmem:s26+$0x180]  }
0x190: {  	v1 =	vadd.f32 v3, v1;
	v3 =	vld [tilespmem:s26+$0x100]  }
0x191: {  	v0 =	vadd.f32 v4, v0;
	v4 =	vld [tilespmem:s26+$0x280]  }
0x192: {  	v1 =	vadd.f32 v5, v1;
	v5 =	vld [tilespmem:s26+$0x200]  }
0x193: {  	v0 =	vadd.f32 v6, v0;
	v6 =	vld [tilespmem:s26+$0x380]  }
0x194: {  	v1 =	vadd.f32 v2, v1;
	v2 =	vld [tilespmem:s26+$0x300]  }
0x195: {  	v0 =	vadd.f32 v3, v0;
	v3 =	vld [tilespmem:s26+$0x480]  }
0x196: {  	v1 =	vadd.f32 v4, v1;
	v4 =	vld [tilespmem:s26+$0x400]  }
0x197: {  	v0 =	vadd.f32 v5, v0  }
0x198: {  	v1 =	vadd.f32 v6, v1  }
0x199: {  	v0 =	vadd.f32 v2, v0;
	_ =	sdelay $0x1  }
0x19a: {  	v1 =	vadd.f32 v3, v1;
	v0 =	vadd.f32 v4, v0;
	_ =	sdelay $0x1  }
0x19b: {  	v0 =	vadd.f32 v1, v0;
	_ =	sdelay $0x1  }
0x19c: {  	v0 =	vmul.f32 $5.000000070e-02, v0  }
0x19d: {  	s28 =	sshra.s32 s30, $0x2  }
0x19e: {  	[tilespmem:s28+$0x1C100] =	vst v0  }
0x19f: {  	v0 =	vld [tilespmem:s26+$0xFFFFFC10]  }
0x1a0: {  	v1 =	vld [tilespmem:s26+$0xFFFFFB10]  }
0x1a1: {  	v2 =	vld [tilespmem:s26+$0xFFFFFC90]  }
0x1a2: {  	v3 =	vld [tilespmem:s26+$0xFFFFFB90]  }
0x1a3: {  	v4 =	vld [tilespmem:s26+$0xFFFFFD90]  }
0x1a4: {  	v5 =	vld [tilespmem:s26+$0xFFFFFD10]  }
0x1a5: {  	v6 =	vld [tilespmem:s26+$0xFFFFFE90]  }
0x1a6: {  	v0 =	vadd.f32 v2, v0;
	v2 =	vld [tilespmem:s26+$0xFFFFFE10]  }
0x1a7: {  	v1 =	vadd.f32 v3, v1;
	v3 =	vld [tilespmem:s26+$0xFFFFFF90]  }
0x1a8: {  	v0 =	vadd.f32 v4, v0;
	v4 =	vld [tilespmem:s26+$0xFFFFFF10]  }
0x1a9: {  	v1 =	vadd.f32 v5, v1;
	v5 =	vld [tilespmem:s26+$0x90]  }
0x1aa: {  	v0 =	vadd.f32 v6, v0;
	v6 =	vld [tilespmem:s26+$0x10]  }
0x1ab: {  	v1 =	vadd.f32 v2, v1;
	v2 =	vld [tilespmem:s26+$0x190]  }
0x1ac: {  	v0 =	vadd.f32 v3, v0;
	v3 =	vld [tilespmem:s26+$0x110]  }
0x1ad: {  	v1 =	vadd.f32 v4, v1;
	v4 =	vld [tilespmem:s26+$0x290]  }
0x1ae: {  	v0 =	vadd.f32 v5, v0;
	v5 =	vld [tilespmem:s26+$0x210]  }
0x1af: {  	v1 =	vadd.f32 v6, v1;
	v6 =	vld [tilespmem:s26+$0x390]  }
0x1b0: {  	v0 =	vadd.f32 v2, v0;
	v2 =	vld [tilespmem:s26+$0x310]  }
0x1b1: {  	v1 =	vadd.f32 v3, v1;
	v3 =	vld [tilespmem:s26+$0x490]  }
0x1b2: {  	v0 =	vadd.f32 v4, v0;
	v4 =	vld [tilespmem:s26+$0x410]  }
0x1b3: {  	v1 =	vadd.f32 v5, v1  }
0x1b4: {  	v0 =	vadd.f32 v6, v0  }
0x1b5: {  	v1 =	vadd.f32 v2, v1;
	_ =	sdelay $0x1  }
0x1b6: {  	v0 =	vadd.f32 v3, v0;
	v1 =	vadd.f32 v4, v1;
	_ =	sdelay $0x1  }
0x1b7: {  	v0 =	vadd.f32 v0, v1;
	_ =	sdelay $0x1  }
0x1b8: {  	v0 =	vmul.f32 $5.000000070e-02, v0;
	_ =	sdelay $0x1  }
0x1b9: {  	[tilespmem:s28+$0x1C110] =	vst v0  }
0x1ba: {  	v0 =	vld [tilespmem:s26+$0xFFFFFB20]  }
0x1bb: {  	v1 =	vld [tilespmem:s26+$0xFFFFFCA0]  }
0x1bc: {  	v2 =	vld [tilespmem:s26+$0xFFFFFBA0]  }
0x1bd: {  	v3 =	vld [tilespmem:s26+$0xFFFFFC20]  }
0x1be: {  	v4 =	vld [tilespmem:s26+$0xFFFFFD20]  }
0x1bf: {  	v5 =	vld [tilespmem:s26+$0xFFFFFDA0]  }
0x1c0: {  	v6 =	vld [tilespmem:s26+$0xFFFFFE20]  }
0x1c1: {  	v0 =	vadd.f32 v2, v0;
	v2 =	vld [tilespmem:s26+$0xFFFFFEA0]  }
0x1c2: {  	v1 =	vadd.f32 v1, v3;
	v3 =	vld [tilespmem:s26+$0xFFFFFF20]  }
0x1c3: {  	v0 =	vadd.f32 v4, v0;
	v4 =	vld [tilespmem:s26+$0xFFFFFFA0]  }
0x1c4: {  	v1 =	vadd.f32 v5, v1;
	v5 =	vld [tilespmem:s26+$0x20]  }
0x1c5: {  	v0 =	vadd.f32 v6, v0;
	v6 =	vld [tilespmem:s26+$0xA0]  }
0x1c6: {  	v1 =	vadd.f32 v2, v1;
	v2 =	vld [tilespmem:s26+$0x120]  }
0x1c7: {  	v0 =	vadd.f32 v3, v0;
	v3 =	vld [tilespmem:s26+$0x1A0]  }
0x1c8: {  	v1 =	vadd.f32 v4, v1;
	v4 =	vld [tilespmem:s26+$0x220]  }
0x1c9: {  	v0 =	vadd.f32 v5, v0;
	v5 =	vld [tilespmem:s26+$0x2A0]  }
0x1ca: {  	v1 =	vadd.f32 v6, v1;
	v6 =	vld [tilespmem:s26+$0x320]  }
0x1cb: {  	v0 =	vadd.f32 v2, v0;
	v2 =	vld [tilespmem:s26+$0x3A0]  }
0x1cc: {  	v1 =	vadd.f32 v3, v1;
	v3 =	vld [tilespmem:s26+$0x4A0]  }
0x1cd: {  	v0 =	vadd.f32 v4, v0;
	v4 =	vld [tilespmem:s26+$0x420]  }
0x1ce: {  	v1 =	vadd.f32 v5, v1  }
0x1cf: {  	v0 =	vadd.f32 v6, v0  }
0x1d0: {  	v1 =	vadd.f32 v2, v1;
	_ =	sdelay $0x1  }
0x1d1: {  	v0 =	vadd.f32 v4, v0;
	v1 =	vadd.f32 v3, v1;
	_ =	sdelay $0x1  }
0x1d2: {  	v0 =	vadd.f32 v1, v0;
	_ =	sdelay $0x1  }
0x1d3: {  	v0 =	vmul.f32 $5.000000070e-02, v0;
	_ =	sdelay $0x1  }
0x1d4: {  	[tilespmem:s28+$0x1C120] =	vst v0  }
0x1d5: {  	v0 =	vld [tilespmem:s26+$0xFFFFFD30]  }
0x1d6: {  	v1 =	vld [tilespmem:s26+$0xFFFFFB30]  }
0x1d7: {  	v2 =	vld [tilespmem:s26+$0xFFFFFCB0]  }
0x1d8: {  	v3 =	vld [tilespmem:s26+$0xFFFFFBB0]  }
0x1d9: {  	v4 =	vld [tilespmem:s26+$0xFFFFFC30]  }
0x1da: {  	v5 =	vld [tilespmem:s26+$0xFFFFFDB0]  }
0x1db: {  	v6 =	vld [tilespmem:s26+$0xFFFFFE30]  }
0x1dc: {  	v7 =	vld [tilespmem:s26+$0xFFFFFEB0]  }
0x1dd: {  	v1 =	vadd.f32 v3, v1;
	v3 =	vld [tilespmem:s26+$0xFFFFFF30]  }
0x1de: {  	v2 =	vadd.f32 v2, v4;
	v4 =	vld [tilespmem:s26+$0xFFFFFFB0]  }
0x1df: {  	v0 =	vadd.f32 v0, v1;
	v8 =	vld [tilespmem:s26+$0x30]  }
0x1e0: {  	v1 =	vadd.f32 v5, v2;
	v2 =	vld [tilespmem:s26+$0xB0]  }
0x1e1: {  	v0 =	vadd.f32 v6, v0;
	v5 =	vld [tilespmem:s26+$0x130]  }
0x1e2: {  	v1 =	vadd.f32 v7, v1;
	v6 =	vld [tilespmem:s26+$0x1B0]  }
0x1e3: {  	v0 =	vadd.f32 v3, v0;
	v7 =	vld [tilespmem:s26+$0x230]  }
0x1e4: {  	v3 =	vadd.f32 v4, v1;
	v1 =	vld [tilespmem:s26+$0x2B0]  }
.Ltmp4:
0x1e5: {  	v4 =	vadd.f32 v8, v0;
	v0 =	vld [tilespmem:s26+$0x330];
	(pc) =	sbr.rel @p0 .LBB2_9-.Ltmp4, $4  }
0x1e6: {  	v8 =	vadd.f32 v2, v3;
	v2 =	vld [tilespmem:s26+$0x3B0]  }
0x1e7: {  	v5 =	vadd.f32 v5, v4;
	v3 =	vld [tilespmem:s26+$0x430]  }
0x1e8: {  	v6 =	vadd.f32 v6, v8;
	v4 =	vld [tilespmem:s26+$0x4B0]  }
0x1e9: {  	v5 =	vadd.f32 v7, v5  }
0x1ea: {  	v1 =	vadd.f32 v1, v6;
	_ =	sdelay $0x1  }
0x1eb: {  	v0 =	vadd.f32 v0, v5;
	v1 =	vadd.f32 v2, v1;
	_ =	sdelay $0x1  }
0x1ec: {  	v0 =	vadd.f32 v3, v0;
	v1 =	vadd.f32 v4, v1  }
0x1ed: {  	s24 =	sadd.s32 $0x1, s24  }
0x1ee: {  	p0 =	sne.s32 s24, $0x32;
	v0 =	vadd.f32 v1, v0  }
.Ltmp5:
0x1ef: {  	s25 =	sshll.u32 s25, $0xA;
	(pc) =	sbr.rel @p0 .LBB2_2-.Ltmp5, $4  }
0x1f0: {  	s25 =	sadd.s32 s5, s25;
	v0 =	vmul.f32 $5.000000070e-02, v0  }
0x1f1: {  	s25 =	sshrl.u32 s25, $0x3  }
0x1f2: {  	s25 =	sadd.s32 s2, s25;
	[tilespmem:s28+$0x1C130] =	vst v0  }
0x1f3: {  	[hbm4b:s25+s3] =	stream.linear.scatter [tilespmem:s22], [sflag:$0x3], $0x400, $0x38;
	[tilespmem:$0x1C500] =	vst v63  }
0x1f4: {  	s23 =	sadd.s32 $0x1, s23  }
0x1f5: {  	_ =	swait.ge [sflag:s21], $0x400;
	p0 =	sne.s32 s23, s7  }
.Ltmp6:
0x1f6: {  	[sflag:s21] =	ssyncset.done $0x0;
	(pc) =	sbr.rel @p0 .LBB2_1-.Ltmp6, $4  }
0x1f7: {  	[sflag:s21] =	ssyncadd.s32 $0xFFFFFC00  }
0x1f8: {  	_ =	swait.ge [sflag:s21], $0x400  }
0x1f9: {  	[sflag:s21] =	ssyncset.done $0x0  }
0x1fa: {  	[sflag:s21] =	ssyncadd.s32 $0xFFFFFC00  }
0x1fb: {  	_ =	sfence.sel $0x180000  }
0x1fc: {  	[bflag:$0x0] =	sbarrier.arrive $0xFFFF  }
0x1fd: {  	p0 =	sne.s32 s1, $0x0;
	_ =	strace $0x90000047  }
0x1fe: {  	s0 =	sadd.s32 @!p0 $0x100000, s0;
	[bflag:$0x2] =	sbarrier.arrive $0xFFFF  }
0x1ff: {  	[sflag:s0] =	ssyncadd.tile.s32 @!p0 $0x1;
	_ =	shalt  }
.Lfunc_end2:
_tile_overlayer_lowered:
.L_overlay_start_2:
0x200: {  	(tag) =	ssettag $0x2  }
0x201: {  	s0 =	rddreg [dreg:$0x0];
	s2 =	stileid.u32  }
0x202: {  	s1 =	rddreg [dreg:$0x1];
	p0 =	sne.s32 s2, $0x0  }
0x203: {  	s3 =	rddreg [dreg:$0x2];
	[bflag:$0x3] =	sbarrier.arrive $0xFFFF;
	s2 =	simm.s32 @!p0 $0x1C04  }
0x204: {  	[timem:s3], [sflag:s2] =	dma.local @!p0 [hbm:s0], s1  }
0x205: {  	s0 =	simm.s32 @!p0 $0x4  }
0x206: {  	_ =	swait.ge @!p0 [sflag:s0], s1  }
0x207: {  	s1 =	ssub.s32 @!p0 $0x0, s1;
	[sflag:s0] =	ssyncset.done @!p0 $0x0  }
0x208: {  	[sflag:s0] =	ssyncadd.s32 @!p0 s1  }
0x209: {  	[bflag:$0x3] =	sbarrier.arrive $0xFFFF  }
0x20a: {  	_ =	shalt  }

</sc_bundles>
